<compile_context>
chip_gen: v7x
topology: tpu7x:2x2x1
jax: 0.10.2.dev20260603
libtpu: 0.0.44.dev20260713+nightly
codegen_flags: <defaults>
</compile_context>

<pallas_src>
import functools

import jax
import jax.numpy as jnp
from jax import lax
from jax.experimental import pallas as pl
from jax.experimental.pallas import tpu as pltpu
from jax.experimental.pallas import tpu_sc as plsc

N = 10000
E = 320000
D = 128
H = 16

NC = 2
NS = 16
NW = NC * NS
CHUNK = 128
EPAD = 327680
CPT = EPAD // (NW * CHUNK)
NPAD = 10240
RPT = NPAD // NS
BROW = 1000


def _make_edge_pass(width, gather):
  mesh = plsc.VectorSubcoreMesh(core_axis_name="c", subcore_axis_name="s")
  scratch = [
      pltpu.VMEM((CPT, CHUNK), jnp.int32),
      pltpu.VMEM((CPT, CHUNK), jnp.int32),
      pltpu.VMEM((CHUNK, width), jnp.float32),
      pltpu.VMEM_SHARED((NPAD, width), jnp.float32),
      pltpu.SemaphoreType.DMA,
  ]
  out_t = jax.ShapeDtypeStruct((NC, NPAD, width), jnp.float32)

  @functools.partial(
      pl.kernel, mesh=mesh, out_type=out_t, scratch_types=scratch,
      compiler_params=pltpu.CompilerParams(use_tc_tiling_on_sc=False))
  def k(table_hbm, src_hbm, dst_hbm, zeros_hbm, out_hbm,
        src_v, dst_v, rows_v, acc_s, sem):
    c = lax.axis_index("c")
    s = lax.axis_index("s")
    wid = c * NS + s

    @pl.when(s == 0)
    def _():
      pltpu.sync_copy(zeros_hbm, acc_s)

    if gather:
      pltpu.sync_copy(src_hbm.at[wid], src_v)
    else:
      pltpu.sync_copy(table_hbm, rows_v)
    pltpu.sync_copy(dst_hbm.at[wid], dst_v)
    plsc.subcore_barrier()

    def body(j, carry):
      if gather:
        pltpu.async_copy(table_hbm.at[src_v.at[j]], rows_v, sem).wait()
      pltpu.sync_copy(rows_v, acc_s.at[dst_v.at[j]], add=True)
      return carry

    lax.fori_loop(0, CPT, body, 0)
    plsc.subcore_barrier()
    pltpu.sync_copy(acc_s.at[pl.ds(s * RPT, RPT)],
                    out_hbm.at[c].at[pl.ds(s * RPT, RPT)])

  return k


_deg_pass = _make_edge_pass(1, gather=False)
_edge_pass_h = _make_edge_pass(H, gather=True)
_edge_pass_1 = _make_edge_pass(1, gather=True)


def _k2_body(x_ref, degp_ref, w1_ref, g1_ref, dinv_ref):
  deg = degp_ref[0] + degp_ref[1] + 1.0
  dinv = lax.rsqrt(deg)
  h = jnp.dot(x_ref[...], w1_ref[...], preferred_element_type=jnp.float32)
  g1_ref[...] = h * dinv
  dinv_ref[...] = dinv


def _k2(x, degp, w1):
  grid = N // BROW
  return pl.pallas_call(
      _k2_body,
      grid=(grid,),
      in_specs=[
          pl.BlockSpec((BROW, D), lambda i: (i, 0)),
          pl.BlockSpec((NC, BROW, 1), lambda i: (0, i, 0)),
          pl.BlockSpec((D, H), lambda i: (0, 0)),
      ],
      out_specs=[
          pl.BlockSpec((BROW, H), lambda i: (i, 0)),
          pl.BlockSpec((BROW, 1), lambda i: (i, 0)),
      ],
      out_shape=[
          jax.ShapeDtypeStruct((N, H), jnp.float32),
          jax.ShapeDtypeStruct((N, 1), jnp.float32),
      ],
  )(x, degp, w1)


def _k4_body(accp_ref, g1_ref, dinv_ref, w2t_ref, b1_ref, g2_ref):
  acc = accp_ref[0] + accp_ref[1]
  dinv = dinv_ref[...]
  pre = (acc + g1_ref[...]) * dinv + b1_ref[...]
  out1 = jnp.maximum(pre, 0.0)
  h2 = jnp.sum(out1 * w2t_ref[...], axis=1, keepdims=True)
  g2_ref[...] = h2 * dinv


def _k4(accp, g1, dinv, w2t, b1r):
  grid = N // BROW
  return pl.pallas_call(
      _k4_body,
      grid=(grid,),
      in_specs=[
          pl.BlockSpec((NC, BROW, H), lambda i: (0, i, 0)),
          pl.BlockSpec((BROW, H), lambda i: (i, 0)),
          pl.BlockSpec((BROW, 1), lambda i: (i, 0)),
          pl.BlockSpec((1, H), lambda i: (0, 0)),
          pl.BlockSpec((1, H), lambda i: (0, 0)),
      ],
      out_specs=pl.BlockSpec((BROW, 1), lambda i: (i, 0)),
      out_shape=jax.ShapeDtypeStruct((N, 1), jnp.float32),
  )(accp, g1, dinv, w2t, b1r)


def _k6_body(accp_ref, g2_ref, dinv_ref, b2_ref, out_ref):
  acc = accp_ref[0] + accp_ref[1]
  out_ref[...] = (acc + g2_ref[...]) * dinv_ref[...] + b2_ref[...]


def _k6(accp, g2, dinv, b2r):
  grid = N // BROW
  return pl.pallas_call(
      _k6_body,
      grid=(grid,),
      in_specs=[
          pl.BlockSpec((NC, BROW, 1), lambda i: (0, i, 0)),
          pl.BlockSpec((BROW, 1), lambda i: (i, 0)),
          pl.BlockSpec((BROW, 1), lambda i: (i, 0)),
          pl.BlockSpec((1, 1), lambda i: (0, 0)),
      ],
      out_specs=pl.BlockSpec((BROW, 1), lambda i: (i, 0)),
      out_shape=jax.ShapeDtypeStruct((N, 1), jnp.float32),
  )(accp, g2, dinv, b2r)


def kernel(x, edge_index, W1, b1, W2, b2):
  x = x.astype(jnp.float32)
  src = edge_index[0].astype(jnp.int32)
  dst = edge_index[1].astype(jnp.int32)
  padlen = EPAD - E
  fill = jnp.full((padlen,), N, jnp.int32)
  src3 = jnp.concatenate([src, fill]).reshape(NW, CPT, CHUNK)
  dst3 = jnp.concatenate([dst, fill]).reshape(NW, CPT, CHUNK)

  zeros1 = jnp.zeros((NPAD, 1), jnp.float32)
  zerosH = jnp.zeros((NPAD, H), jnp.float32)
  ones_chunk = jnp.ones((CHUNK, 1), jnp.float32)

  degp = _deg_pass(ones_chunk, src3, dst3, zeros1)
  g1, dinv = _k2(x, degp, W1.astype(jnp.float32))

  g1p = jnp.pad(g1, ((0, NPAD - N), (0, 0)))
  acc1p = _edge_pass_h(g1p, src3, dst3, zerosH)

  w2t = W2.astype(jnp.float32).reshape(1, H)
  b1r = b1.astype(jnp.float32).reshape(1, H)
  g2 = _k4(acc1p, g1, dinv, w2t, b1r)

  g2p = jnp.pad(g2, ((0, NPAD - N), (0, 0)))
  acc2p = _edge_pass_1(g2p, src3, dst3, zeros1)

  b2r = b2.astype(jnp.float32).reshape(1, 1)
  return _k6(acc2p, g2, dinv, b2r)

# --- scband reference (transcript-rebuilt; emitter-appended) ---
"""Pipeline reference for scband-simple-gnn-14087492731595 (READ-ONLY COPY).

The authoritative reference and input builder live on the scoring server;
editing this copy changes nothing except your own understanding.
"""

import jax, jax.numpy as jnp
import numpy as np

N = 10000
E = 320000
D = 128
F_HID = 16


def gcn_conv(x, W, b, src, dst):
    # PyG-style GCNConv: linear transform, add self-loops, symmetric normalization, sum-aggregate
    h = x @ W
    loop = jnp.arange(N, dtype=src.dtype)
    src2 = jnp.concatenate([src, loop])
    dst2 = jnp.concatenate([dst, loop])
    deg = jax.ops.segment_sum(jnp.ones(src2.shape[0], dtype=h.dtype), dst2, num_segments=N)
    dinv = jnp.where(deg > 0, jax.lax.rsqrt(deg), 0.0)
    norm = dinv[src2] * dinv[dst2]
    msg = h[src2] * norm[:, None]
    out = jax.ops.segment_sum(msg, dst2, num_segments=N)
    return out + b


def setup_inputs(seed: int = 0) -> dict:
    key = jax.random.key(seed)
    k1, k2, k3, k4, k5, k6 = jax.random.split(key, 6)
    x = jax.random.normal(k1, (N, D), dtype=jnp.float32)
    edge_index = jax.random.randint(k2, (2, E), 0, N)
    W1 = jax.random.normal(k3, (D, F_HID), dtype=jnp.float32) * (1.0 / np.sqrt(D))
    b1 = jnp.zeros((F_HID,), dtype=jnp.float32)
    W2 = jax.random.normal(k4, (F_HID, 1), dtype=jnp.float32) * (1.0 / np.sqrt(F_HID))
    b2 = jnp.zeros((1,), dtype=jnp.float32)
    return {"x": x, "edge_index": edge_index, "W1": W1, "b1": b1, "W2": W2, "b2": b2}


def reference(x, edge_index, W1, b1, W2, b2):
    src = edge_index[0]
    dst = edge_index[1]
    h = gcn_conv(x.astype(jnp.float32), W1, b1, src, dst)
    h = jax.nn.relu(h)
    out = gcn_conv(h, W2, b2, src, dst)
    return out

if __name__ == "__main__":
    import jax
    _d = setup_inputs()
    print(jax.jit(kernel)(*tuple(_d.values())))

</pallas_src>

<mosaic_0001>
#map = affine_map<(d0, d1) -> (0, 0)>
#map1 = affine_map<(d0, d1) -> (0, 0, 0)>
module attributes {stable_mosaic.version = 14 : i64} {
  func.func @k(%arg0: i32, %arg1: i32, %arg2: memref<128x1xf32, #tpu.memory_space<hbm>>, %arg3: memref<32x80x128xi32, #tpu.memory_space<hbm>>, %arg4: memref<32x80x128xi32, #tpu.memory_space<hbm>>, %arg5: memref<10240x1xf32, #tpu.memory_space<hbm>>, %arg6: memref<2x10240x1xf32, #tpu.memory_space<hbm>>, %arg7: memref<80x128xi32, #tpu.memory_space<vmem>>, %arg8: memref<80x128xi32, #tpu.memory_space<vmem>>, %arg9: memref<128x1xf32, #tpu.memory_space<vmem>>, %arg10: memref<10240x1xf32, #tpu.memory_space<vmem_shared>>, %arg11: memref<!tpu.dma_semaphore, #tpu.memory_space<semaphore_mem>>) attributes {dimension_semantics = [#tpu.dimension_semantics<core_parallel>, #tpu.dimension_semantics<subcore_parallel>], iteration_bounds = array<i64: 2, 16>, scalar_prefetch = 0 : i64, scratch_operands = 5 : i64, tpu.core_type = #tpu.core_type<sc_vector_subcore>, window_params = [{transform_indices = #map}, {transform_indices = #map1}, {transform_indices = #map1}, {transform_indices = #map}, {transform_indices = #map1}]} {
    %mul3A = arith.constant 16 : i32
    %mul3A_0 = arith.muli %arg0, %mul3A : i32
    %add3A = arith.addi %mul3A_0, %arg1 : i32
    %eq3A = arith.constant 0 : i32
    %eq3A_1 = arith.cmpi eq, %arg1, %eq3A : i32
    %convert_element_type3A = arith.extui %eq3A_1 : i1 to i32
    %cond3A = arith.constant 0 : i32
    %cond3A_2 = arith.cmpi ne, %convert_element_type3A, %cond3A : i32
    scf.if %cond3A_2 {
      "tpu.region"() ({
        %run_scoped3A = tpu.sem_alloc : memref<!tpu.dma_semaphore, #tpu.memory_space<semaphore_mem>>
        tpu.enqueue_dma source(%arg5 : memref<10240x1xf32, #tpu.memory_space<hbm>>) target(%arg10 : memref<10240x1xf32, #tpu.memory_space<vmem_shared>>) target_semaphore(%run_scoped3A : memref<!tpu.dma_semaphore, #tpu.memory_space<semaphore_mem>>)
        tpu.wait_dma2 semaphore(%run_scoped3A : memref<!tpu.dma_semaphore, #tpu.memory_space<semaphore_mem>>) src(%arg5 : memref<10240x1xf32, #tpu.memory_space<hbm>>) dst(%arg10 : memref<10240x1xf32, #tpu.memory_space<vmem_shared>>)
        tpu.yield
      }) : () -> ()
    } else {
    }
    "tpu.region"() ({
      %run_scoped3A = tpu.sem_alloc : memref<!tpu.dma_semaphore, #tpu.memory_space<semaphore_mem>>
      tpu.enqueue_dma source(%arg2 : memref<128x1xf32, #tpu.memory_space<hbm>>) target(%arg9 : memref<128x1xf32, #tpu.memory_space<vmem>>) target_semaphore(%run_scoped3A : memref<!tpu.dma_semaphore, #tpu.memory_space<semaphore_mem>>)
      tpu.wait_dma2 semaphore(%run_scoped3A : memref<!tpu.dma_semaphore, #tpu.memory_space<semaphore_mem>>) src(%arg2 : memref<128x1xf32, #tpu.memory_space<hbm>>) dst(%arg9 : memref<128x1xf32, #tpu.memory_space<vmem>>)
      tpu.yield
    }) : () -> ()
    "tpu.region"() ({
      %run_scoped3A = tpu.sem_alloc : memref<!tpu.dma_semaphore, #tpu.memory_space<semaphore_mem>>
      %dma_start3A = arith.constant 0 : i32
      %dma_start3A_13 = arith.constant 0 : i32
      %dma_start3A_14 = tpu.memref_slice %arg4[%add3A, %dma_start3A, %dma_start3A_13] : memref<32x80x128xi32, #tpu.memory_space<hbm>> -> memref<1x80x128xi32, #tpu.memory_space<hbm>>
      %dma_start3A_15 = tpu.memref_squeeze %dma_start3A_14 : memref<1x80x128xi32, #tpu.memory_space<hbm>> -> memref<80x128xi32, #tpu.memory_space<hbm>>
      %dma_start3A_16 = arith.constant 0 : i32
      %dma_start3A_17 = arith.constant 0 : i32
      %dma_start3A_18 = tpu.memref_slice %arg4[%add3A, %dma_start3A_16, %dma_start3A_17] : memref<32x80x128xi32, #tpu.memory_space<hbm>> -> memref<1x80x128xi32, #tpu.memory_space<hbm>>
      %dma_start3A_19 = tpu.memref_squeeze %dma_start3A_18 : memref<1x80x128xi32, #tpu.memory_space<hbm>> -> memref<80x128xi32, #tpu.memory_space<hbm>>
      tpu.enqueue_dma source(%dma_start3A_19 : memref<80x128xi32, #tpu.memory_space<hbm>>) target(%arg8 : memref<80x128xi32, #tpu.memory_space<vmem>>) target_semaphore(%run_scoped3A : memref<!tpu.dma_semaphore, #tpu.memory_space<semaphore_mem>>)
      %dma_wait3A = arith.constant 0 : i32
      %dma_wait3A_20 = arith.constant 0 : i32
      %dma_wait3A_21 = tpu.memref_slice %arg4[%add3A, %dma_wait3A, %dma_wait3A_20] : memref<32x80x128xi32, #tpu.memory_space<hbm>> -> memref<1x80x128xi32, #tpu.memory_space<hbm>>
      %dma_wait3A_22 = tpu.memref_squeeze %dma_wait3A_21 : memref<1x80x128xi32, #tpu.memory_space<hbm>> -> memref<80x128xi32, #tpu.memory_space<hbm>>
      %dma_wait3A_23 = arith.constant 0 : i32
      %dma_wait3A_24 = arith.constant 0 : i32
      %dma_wait3A_25 = tpu.memref_slice %arg4[%add3A, %dma_wait3A_23, %dma_wait3A_24] : memref<32x80x128xi32, #tpu.memory_space<hbm>> -> memref<1x80x128xi32, #tpu.memory_space<hbm>>
      %dma_wait3A_26 = tpu.memref_squeeze %dma_wait3A_25 : memref<1x80x128xi32, #tpu.memory_space<hbm>> -> memref<80x128xi32, #tpu.memory_space<hbm>>
      tpu.wait_dma2 semaphore(%run_scoped3A : memref<!tpu.dma_semaphore, #tpu.memory_space<semaphore_mem>>) src(%dma_wait3A_26 : memref<80x128xi32, #tpu.memory_space<hbm>>) dst(%arg8 : memref<80x128xi32, #tpu.memory_space<vmem>>)
      tpu.yield
    }) : () -> ()
    %barrier3A = arith.constant 0 : index
    tpu.barrier barrier_id(%barrier3A)
    %scan3A = arith.constant 0 : i32
    %scan3A_3 = arith.constant 0 : i32
    %scan3A_4 = arith.constant 80 : i32
    %scan3A_5 = arith.addi %scan3A_3, %scan3A_4 : i32
    %scan3A_6 = arith.constant 1 : i32
    scf.for %scan3A_13 = %scan3A_3 to %scan3A_5 step %scan3A_6  : i32 {
      "tpu.region"() ({
        %run_scoped3A = tpu.sem_alloc : memref<!tpu.dma_semaphore, #tpu.memory_space<semaphore_mem>>
        %dma_start3A = arith.constant 0 : i32
        %dma_start3A_14 = tpu.memref_slice %arg8[%scan3A_13, %dma_start3A] : memref<80x128xi32, #tpu.memory_space<vmem>> -> memref<1x128xi32, #tpu.memory_space<vmem>>
        %dma_start3A_15 = tpu.memref_squeeze %dma_start3A_14 : memref<1x128xi32, #tpu.memory_space<vmem>> -> memref<128xi32, #tpu.memory_space<vmem>>
        %dma_start3A_16 = arith.constant 0 : i32
        %dma_start3A_17 = arith.constant 0 : i32
        %dma_start3A_18 = tpu.memref_slice %arg10[%dma_start3A_16, %dma_start3A_17] : memref<10240x1xf32, #tpu.memory_space<vmem_shared>> -> memref<10240x1xf32, #tpu.memory_space<vmem_shared>>
        tpu.enqueue_indirect_dma source(%arg9 : memref<128x1xf32, #tpu.memory_space<vmem>>) target(%dma_start3A_18 : memref<10240x1xf32, #tpu.memory_space<vmem_shared>>) offsets(%dma_start3A_15 : memref<128xi32, #tpu.memory_space<vmem>>) semaphore(%run_scoped3A : memref<!tpu.dma_semaphore, #tpu.memory_space<semaphore_mem>>) {add = true}
        %dma_wait3A = arith.constant 0 : i32
        %dma_wait3A_19 = tpu.memref_slice %arg8[%scan3A_13, %dma_wait3A] : memref<80x128xi32, #tpu.memory_space<vmem>> -> memref<1x128xi32, #tpu.memory_space<vmem>>
        %dma_wait3A_20 = tpu.memref_squeeze %dma_wait3A_19 : memref<1x128xi32, #tpu.memory_space<vmem>> -> memref<128xi32, #tpu.memory_space<vmem>>
        %dma_wait3A_21 = arith.constant 0 : i32
        %dma_wait3A_22 = arith.constant 0 : i32
        %dma_wait3A_23 = tpu.memref_slice %arg10[%dma_wait3A_21, %dma_wait3A_22] : memref<10240x1xf32, #tpu.memory_space<vmem_shared>> -> memref<10240x1xf32, #tpu.memory_space<vmem_shared>>
        tpu.wait_indirect_dma semaphore(%run_scoped3A : memref<!tpu.dma_semaphore, #tpu.memory_space<semaphore_mem>>) src(%arg9 : memref<128x1xf32, #tpu.memory_space<vmem>>) dst(%dma_wait3A_23 : memref<10240x1xf32, #tpu.memory_space<vmem_shared>>)
        tpu.yield
      }) : () -> ()
    }
    %scan3A_7 = arith.constant 80 : i32
    %barrier3A_8 = arith.constant 0 : index
    tpu.barrier barrier_id(%barrier3A_8)
    %mul3A_9 = arith.constant 640 : i32
    %mul3A_10 = arith.muli %arg1, %mul3A_9 : i32
    %mul3A_11 = arith.constant 640 : i32
    %mul3A_12 = arith.muli %arg1, %mul3A_11 : i32
    "tpu.region"() ({
      %run_scoped3A = tpu.sem_alloc : memref<!tpu.dma_semaphore, #tpu.memory_space<semaphore_mem>>
      %dma_start3A = arith.constant 0 : i32
      %dma_start3A_13 = arith.constant 0 : i32
      %dma_start3A_14 = tpu.memref_slice %arg6[%arg0, %dma_start3A, %dma_start3A_13] : memref<2x10240x1xf32, #tpu.memory_space<hbm>> -> memref<1x10240x1xf32, #tpu.memory_space<hbm>>
      %dma_start3A_15 = tpu.memref_squeeze %dma_start3A_14 : memref<1x10240x1xf32, #tpu.memory_space<hbm>> -> memref<10240x1xf32, #tpu.memory_space<hbm>>
      %dma_start3A_16 = arith.constant 0 : i32
      %dma_start3A_17 = tpu.memref_slice %dma_start3A_15[%mul3A_12, %dma_start3A_16] : memref<10240x1xf32, #tpu.memory_space<hbm>> -> memref<640x1xf32, #tpu.memory_space<hbm>>
      %dma_start3A_18 = arith.constant 0 : i32
      %dma_start3A_19 = tpu.memref_slice %arg10[%mul3A_10, %dma_start3A_18] : memref<10240x1xf32, #tpu.memory_space<vmem_shared>> -> memref<640x1xf32, #tpu.memory_space<vmem_shared>>
      tpu.enqueue_dma source(%dma_start3A_19 : memref<640x1xf32, #tpu.memory_space<vmem_shared>>) target(%dma_start3A_17 : memref<640x1xf32, #tpu.memory_space<hbm>>) target_semaphore(%run_scoped3A : memref<!tpu.dma_semaphore, #tpu.memory_space<semaphore_mem>>)
      %dma_wait3A = arith.constant 0 : i32
      %dma_wait3A_20 = arith.constant 0 : i32
      %dma_wait3A_21 = tpu.memref_slice %arg6[%arg0, %dma_wait3A, %dma_wait3A_20] : memref<2x10240x1xf32, #tpu.memory_space<hbm>> -> memref<1x10240x1xf32, #tpu.memory_space<hbm>>
      %dma_wait3A_22 = tpu.memref_squeeze %dma_wait3A_21 : memref<1x10240x1xf32, #tpu.memory_space<hbm>> -> memref<10240x1xf32, #tpu.memory_space<hbm>>
      %dma_wait3A_23 = arith.constant 0 : i32
      %dma_wait3A_24 = tpu.memref_slice %dma_wait3A_22[%mul3A_12, %dma_wait3A_23] : memref<10240x1xf32, #tpu.memory_space<hbm>> -> memref<640x1xf32, #tpu.memory_space<hbm>>
      %dma_wait3A_25 = arith.constant 0 : i32
      %dma_wait3A_26 = tpu.memref_slice %arg10[%mul3A_10, %dma_wait3A_25] : memref<10240x1xf32, #tpu.memory_space<vmem_shared>> -> memref<640x1xf32, #tpu.memory_space<vmem_shared>>
      tpu.wait_dma2 semaphore(%run_scoped3A : memref<!tpu.dma_semaphore, #tpu.memory_space<semaphore_mem>>) src(%dma_wait3A_26 : memref<640x1xf32, #tpu.memory_space<vmem_shared>>) dst(%dma_wait3A_24 : memref<640x1xf32, #tpu.memory_space<hbm>>)
      tpu.yield
    }) : () -> ()
    return
  }
}

#map = affine_map<(d0, d1) -> (0, 0)>
#map1 = affine_map<(d0, d1) -> (0, 0, 0)>
module attributes {stable_mosaic.version = 14 : i64} {
  func.func @k(%arg0: i32, %arg1: i32, %arg2: memref<10240x16xf32, #tpu.memory_space<hbm>>, %arg3: memref<32x80x128xi32, #tpu.memory_space<hbm>>, %arg4: memref<32x80x128xi32, #tpu.memory_space<hbm>>, %arg5: memref<10240x16xf32, #tpu.memory_space<hbm>>, %arg6: memref<2x10240x16xf32, #tpu.memory_space<hbm>>, %arg7: memref<80x128xi32, #tpu.memory_space<vmem>>, %arg8: memref<80x128xi32, #tpu.memory_space<vmem>>, %arg9: memref<128x16xf32, #tpu.memory_space<vmem>>, %arg10: memref<10240x16xf32, #tpu.memory_space<vmem_shared>>, %arg11: memref<!tpu.dma_semaphore, #tpu.memory_space<semaphore_mem>>) attributes {dimension_semantics = [#tpu.dimension_semantics<core_parallel>, #tpu.dimension_semantics<subcore_parallel>], iteration_bounds = array<i64: 2, 16>, scalar_prefetch = 0 : i64, scratch_operands = 5 : i64, tpu.core_type = #tpu.core_type<sc_vector_subcore>, window_params = [{transform_indices = #map}, {transform_indices = #map1}, {transform_indices = #map1}, {transform_indices = #map}, {transform_indices = #map1}]} {
    %mul3A = arith.constant 16 : i32
    %mul3A_0 = arith.muli %arg0, %mul3A : i32
    %add3A = arith.addi %mul3A_0, %arg1 : i32
    %eq3A = arith.constant 0 : i32
    %eq3A_1 = arith.cmpi eq, %arg1, %eq3A : i32
    %convert_element_type3A = arith.extui %eq3A_1 : i1 to i32
    %cond3A = arith.constant 0 : i32
    %cond3A_2 = arith.cmpi ne, %convert_element_type3A, %cond3A : i32
    scf.if %cond3A_2 {
      "tpu.region"() ({
        %run_scoped3A = tpu.sem_alloc : memref<!tpu.dma_semaphore, #tpu.memory_space<semaphore_mem>>
        tpu.enqueue_dma source(%arg5 : memref<10240x16xf32, #tpu.memory_space<hbm>>) target(%arg10 : memref<10240x16xf32, #tpu.memory_space<vmem_shared>>) target_semaphore(%run_scoped3A : memref<!tpu.dma_semaphore, #tpu.memory_space<semaphore_mem>>)
        tpu.wait_dma2 semaphore(%run_scoped3A : memref<!tpu.dma_semaphore, #tpu.memory_space<semaphore_mem>>) src(%arg5 : memref<10240x16xf32, #tpu.memory_space<hbm>>) dst(%arg10 : memref<10240x16xf32, #tpu.memory_space<vmem_shared>>)
        tpu.yield
      }) : () -> ()
    } else {
    }
    "tpu.region"() ({
      %run_scoped3A = tpu.sem_alloc : memref<!tpu.dma_semaphore, #tpu.memory_space<semaphore_mem>>
      %dma_start3A = arith.constant 0 : i32
      %dma_start3A_13 = arith.constant 0 : i32
      %dma_start3A_14 = tpu.memref_slice %arg3[%add3A, %dma_start3A, %dma_start3A_13] : memref<32x80x128xi32, #tpu.memory_space<hbm>> -> memref<1x80x128xi32, #tpu.memory_space<hbm>>
      %dma_start3A_15 = tpu.memref_squeeze %dma_start3A_14 : memref<1x80x128xi32, #tpu.memory_space<hbm>> -> memref<80x128xi32, #tpu.memory_space<hbm>>
      %dma_start3A_16 = arith.constant 0 : i32
      %dma_start3A_17 = arith.constant 0 : i32
      %dma_start3A_18 = tpu.memref_slice %arg3[%add3A, %dma_start3A_16, %dma_start3A_17] : memref<32x80x128xi32, #tpu.memory_space<hbm>> -> memref<1x80x128xi32, #tpu.memory_space<hbm>>
      %dma_start3A_19 = tpu.memref_squeeze %dma_start3A_18 : memref<1x80x128xi32, #tpu.memory_space<hbm>> -> memref<80x128xi32, #tpu.memory_space<hbm>>
      tpu.enqueue_dma source(%dma_start3A_19 : memref<80x128xi32, #tpu.memory_space<hbm>>) target(%arg7 : memref<80x128xi32, #tpu.memory_space<vmem>>) target_semaphore(%run_scoped3A : memref<!tpu.dma_semaphore, #tpu.memory_space<semaphore_mem>>)
      %dma_wait3A = arith.constant 0 : i32
      %dma_wait3A_20 = arith.constant 0 : i32
      %dma_wait3A_21 = tpu.memref_slice %arg3[%add3A, %dma_wait3A, %dma_wait3A_20] : memref<32x80x128xi32, #tpu.memory_space<hbm>> -> memref<1x80x128xi32, #tpu.memory_space<hbm>>
      %dma_wait3A_22 = tpu.memref_squeeze %dma_wait3A_21 : memref<1x80x128xi32, #tpu.memory_space<hbm>> -> memref<80x128xi32, #tpu.memory_space<hbm>>
      %dma_wait3A_23 = arith.constant 0 : i32
      %dma_wait3A_24 = arith.constant 0 : i32
      %dma_wait3A_25 = tpu.memref_slice %arg3[%add3A, %dma_wait3A_23, %dma_wait3A_24] : memref<32x80x128xi32, #tpu.memory_space<hbm>> -> memref<1x80x128xi32, #tpu.memory_space<hbm>>
      %dma_wait3A_26 = tpu.memref_squeeze %dma_wait3A_25 : memref<1x80x128xi32, #tpu.memory_space<hbm>> -> memref<80x128xi32, #tpu.memory_space<hbm>>
      tpu.wait_dma2 semaphore(%run_scoped3A : memref<!tpu.dma_semaphore, #tpu.memory_space<semaphore_mem>>) src(%dma_wait3A_26 : memref<80x128xi32, #tpu.memory_space<hbm>>) dst(%arg7 : memref<80x128xi32, #tpu.memory_space<vmem>>)
      tpu.yield
    }) : () -> ()
    "tpu.region"() ({
      %run_scoped3A = tpu.sem_alloc : memref<!tpu.dma_semaphore, #tpu.memory_space<semaphore_mem>>
      %dma_start3A = arith.constant 0 : i32
      %dma_start3A_13 = arith.constant 0 : i32
      %dma_start3A_14 = tpu.memref_slice %arg4[%add3A, %dma_start3A, %dma_start3A_13] : memref<32x80x128xi32, #tpu.memory_space<hbm>> -> memref<1x80x128xi32, #tpu.memory_space<hbm>>
      %dma_start3A_15 = tpu.memref_squeeze %dma_start3A_14 : memref<1x80x128xi32, #tpu.memory_space<hbm>> -> memref<80x128xi32, #tpu.memory_space<hbm>>
      %dma_start3A_16 = arith.constant 0 : i32
      %dma_start3A_17 = arith.constant 0 : i32
      %dma_start3A_18 = tpu.memref_slice %arg4[%add3A, %dma_start3A_16, %dma_start3A_17] : memref<32x80x128xi32, #tpu.memory_space<hbm>> -> memref<1x80x128xi32, #tpu.memory_space<hbm>>
      %dma_start3A_19 = tpu.memref_squeeze %dma_start3A_18 : memref<1x80x128xi32, #tpu.memory_space<hbm>> -> memref<80x128xi32, #tpu.memory_space<hbm>>
      tpu.enqueue_dma source(%dma_start3A_19 : memref<80x128xi32, #tpu.memory_space<hbm>>) target(%arg8 : memref<80x128xi32, #tpu.memory_space<vmem>>) target_semaphore(%run_scoped3A : memref<!tpu.dma_semaphore, #tpu.memory_space<semaphore_mem>>)
      %dma_wait3A = arith.constant 0 : i32
      %dma_wait3A_20 = arith.constant 0 : i32
      %dma_wait3A_21 = tpu.memref_slice %arg4[%add3A, %dma_wait3A, %dma_wait3A_20] : memref<32x80x128xi32, #tpu.memory_space<hbm>> -> memref<1x80x128xi32, #tpu.memory_space<hbm>>
      %dma_wait3A_22 = tpu.memref_squeeze %dma_wait3A_21 : memref<1x80x128xi32, #tpu.memory_space<hbm>> -> memref<80x128xi32, #tpu.memory_space<hbm>>
      %dma_wait3A_23 = arith.constant 0 : i32
      %dma_wait3A_24 = arith.constant 0 : i32
      %dma_wait3A_25 = tpu.memref_slice %arg4[%add3A, %dma_wait3A_23, %dma_wait3A_24] : memref<32x80x128xi32, #tpu.memory_space<hbm>> -> memref<1x80x128xi32, #tpu.memory_space<hbm>>
      %dma_wait3A_26 = tpu.memref_squeeze %dma_wait3A_25 : memref<1x80x128xi32, #tpu.memory_space<hbm>> -> memref<80x128xi32, #tpu.memory_space<hbm>>
      tpu.wait_dma2 semaphore(%run_scoped3A : memref<!tpu.dma_semaphore, #tpu.memory_space<semaphore_mem>>) src(%dma_wait3A_26 : memref<80x128xi32, #tpu.memory_space<hbm>>) dst(%arg8 : memref<80x128xi32, #tpu.memory_space<vmem>>)
      tpu.yield
    }) : () -> ()
    %barrier3A = arith.constant 0 : index
    tpu.barrier barrier_id(%barrier3A)
    %scan3A = arith.constant 0 : i32
    %scan3A_3 = arith.constant 0 : i32
    %scan3A_4 = arith.constant 80 : i32
    %scan3A_5 = arith.addi %scan3A_3, %scan3A_4 : i32
    %scan3A_6 = arith.constant 1 : i32
    scf.for %scan3A_13 = %scan3A_3 to %scan3A_5 step %scan3A_6  : i32 {
      %dma_start3A = arith.constant 0 : i32
      %dma_start3A_14 = tpu.memref_slice %arg7[%scan3A_13, %dma_start3A] : memref<80x128xi32, #tpu.memory_space<vmem>> -> memref<1x128xi32, #tpu.memory_space<vmem>>
      %dma_start3A_15 = tpu.memref_squeeze %dma_start3A_14 : memref<1x128xi32, #tpu.memory_space<vmem>> -> memref<128xi32, #tpu.memory_space<vmem>>
      %dma_start3A_16 = arith.constant 0 : i32
      %dma_start3A_17 = arith.constant 0 : i32
      %dma_start3A_18 = tpu.memref_slice %arg2[%dma_start3A_16, %dma_start3A_17] : memref<10240x16xf32, #tpu.memory_space<hbm>> -> memref<10240x16xf32, #tpu.memory_space<hbm>>
      tpu.enqueue_indirect_dma source(%dma_start3A_18 : memref<10240x16xf32, #tpu.memory_space<hbm>>) target(%arg9 : memref<128x16xf32, #tpu.memory_space<vmem>>) offsets(%dma_start3A_15 : memref<128xi32, #tpu.memory_space<vmem>>) semaphore(%arg11 : memref<!tpu.dma_semaphore, #tpu.memory_space<semaphore_mem>>)
      %dma_wait3A = arith.constant 0 : i32
      %dma_wait3A_19 = tpu.memref_slice %arg7[%scan3A_13, %dma_wait3A] : memref<80x128xi32, #tpu.memory_space<vmem>> -> memref<1x128xi32, #tpu.memory_space<vmem>>
      %dma_wait3A_20 = tpu.memref_squeeze %dma_wait3A_19 : memref<1x128xi32, #tpu.memory_space<vmem>> -> memref<128xi32, #tpu.memory_space<vmem>>
      %dma_wait3A_21 = arith.constant 0 : i32
      %dma_wait3A_22 = arith.constant 0 : i32
      %dma_wait3A_23 = tpu.memref_slice %arg2[%dma_wait3A_21, %dma_wait3A_22] : memref<10240x16xf32, #tpu.memory_space<hbm>> -> memref<10240x16xf32, #tpu.memory_space<hbm>>
      tpu.wait_indirect_dma semaphore(%arg11 : memref<!tpu.dma_semaphore, #tpu.memory_space<semaphore_mem>>) src(%dma_wait3A_23 : memref<10240x16xf32, #tpu.memory_space<hbm>>) dst(%arg9 : memref<128x16xf32, #tpu.memory_space<vmem>>)
      "tpu.region"() ({
        %run_scoped3A = tpu.sem_alloc : memref<!tpu.dma_semaphore, #tpu.memory_space<semaphore_mem>>
        %dma_start3A_24 = arith.constant 0 : i32
        %dma_start3A_25 = tpu.memref_slice %arg8[%scan3A_13, %dma_start3A_24] : memref<80x128xi32, #tpu.memory_space<vmem>> -> memref<1x128xi32, #tpu.memory_space<vmem>>
        %dma_start3A_26 = tpu.memref_squeeze %dma_start3A_25 : memref<1x128xi32, #tpu.memory_space<vmem>> -> memref<128xi32, #tpu.memory_space<vmem>>
        %dma_start3A_27 = arith.constant 0 : i32
        %dma_start3A_28 = arith.constant 0 : i32
        %dma_start3A_29 = tpu.memref_slice %arg10[%dma_start3A_27, %dma_start3A_28] : memref<10240x16xf32, #tpu.memory_space<vmem_shared>> -> memref<10240x16xf32, #tpu.memory_space<vmem_shared>>
        tpu.enqueue_indirect_dma source(%arg9 : memref<128x16xf32, #tpu.memory_space<vmem>>) target(%dma_start3A_29 : memref<10240x16xf32, #tpu.memory_space<vmem_shared>>) offsets(%dma_start3A_26 : memref<128xi32, #tpu.memory_space<vmem>>) semaphore(%run_scoped3A : memref<!tpu.dma_semaphore, #tpu.memory_space<semaphore_mem>>) {add = true}
        %dma_wait3A_30 = arith.constant 0 : i32
        %dma_wait3A_31 = tpu.memref_slice %arg8[%scan3A_13, %dma_wait3A_30] : memref<80x128xi32, #tpu.memory_space<vmem>> -> memref<1x128xi32, #tpu.memory_space<vmem>>
        %dma_wait3A_32 = tpu.memref_squeeze %dma_wait3A_31 : memref<1x128xi32, #tpu.memory_space<vmem>> -> memref<128xi32, #tpu.memory_space<vmem>>
        %dma_wait3A_33 = arith.constant 0 : i32
        %dma_wait3A_34 = arith.constant 0 : i32
        %dma_wait3A_35 = tpu.memref_slice %arg10[%dma_wait3A_33, %dma_wait3A_34] : memref<10240x16xf32, #tpu.memory_space<vmem_shared>> -> memref<10240x16xf32, #tpu.memory_space<vmem_shared>>
        tpu.wait_indirect_dma semaphore(%run_scoped3A : memref<!tpu.dma_semaphore, #tpu.memory_space<semaphore_mem>>) src(%arg9 : memref<128x16xf32, #tpu.memory_space<vmem>>) dst(%dma_wait3A_35 : memref<10240x16xf32, #tpu.memory_space<vmem_shared>>)
        tpu.yield
      }) : () -> ()
    }
    %scan3A_7 = arith.constant 80 : i32
    %barrier3A_8 = arith.constant 0 : index
    tpu.barrier barrier_id(%barrier3A_8)
    %mul3A_9 = arith.constant 640 : i32
    %mul3A_10 = arith.muli %arg1, %mul3A_9 : i32
    %mul3A_11 = arith.constant 640 : i32
    %mul3A_12 = arith.muli %arg1, %mul3A_11 : i32
    "tpu.region"() ({
      %run_scoped3A = tpu.sem_alloc : memref<!tpu.dma_semaphore, #tpu.memory_space<semaphore_mem>>
      %dma_start3A = arith.constant 0 : i32
      %dma_start3A_13 = arith.constant 0 : i32
      %dma_start3A_14 = tpu.memref_slice %arg6[%arg0, %dma_start3A, %dma_start3A_13] : memref<2x10240x16xf32, #tpu.memory_space<hbm>> -> memref<1x10240x16xf32, #tpu.memory_space<hbm>>
      %dma_start3A_15 = tpu.memref_squeeze %dma_start3A_14 : memref<1x10240x16xf32, #tpu.memory_space<hbm>> -> memref<10240x16xf32, #tpu.memory_space<hbm>>
      %dma_start3A_16 = arith.constant 0 : i32
      %dma_start3A_17 = tpu.memref_slice %dma_start3A_15[%mul3A_12, %dma_start3A_16] : memref<10240x16xf32, #tpu.memory_space<hbm>> -> memref<640x16xf32, #tpu.memory_space<hbm>>
      %dma_start3A_18 = arith.constant 0 : i32
      %dma_start3A_19 = tpu.memref_slice %arg10[%mul3A_10, %dma_start3A_18] : memref<10240x16xf32, #tpu.memory_space<vmem_shared>> -> memref<640x16xf32, #tpu.memory_space<vmem_shared>>
      tpu.enqueue_dma source(%dma_start3A_19 : memref<640x16xf32, #tpu.memory_space<vmem_shared>>) target(%dma_start3A_17 : memref<640x16xf32, #tpu.memory_space<hbm>>) target_semaphore(%run_scoped3A : memref<!tpu.dma_semaphore, #tpu.memory_space<semaphore_mem>>)
      %dma_wait3A = arith.constant 0 : i32
      %dma_wait3A_20 = arith.constant 0 : i32
      %dma_wait3A_21 = tpu.memref_slice %arg6[%arg0, %dma_wait3A, %dma_wait3A_20] : memref<2x10240x16xf32, #tpu.memory_space<hbm>> -> memref<1x10240x16xf32, #tpu.memory_space<hbm>>
      %dma_wait3A_22 = tpu.memref_squeeze %dma_wait3A_21 : memref<1x10240x16xf32, #tpu.memory_space<hbm>> -> memref<10240x16xf32, #tpu.memory_space<hbm>>
      %dma_wait3A_23 = arith.constant 0 : i32
      %dma_wait3A_24 = tpu.memref_slice %dma_wait3A_22[%mul3A_12, %dma_wait3A_23] : memref<10240x16xf32, #tpu.memory_space<hbm>> -> memref<640x16xf32, #tpu.memory_space<hbm>>
      %dma_wait3A_25 = arith.constant 0 : i32
      %dma_wait3A_26 = tpu.memref_slice %arg10[%mul3A_10, %dma_wait3A_25] : memref<10240x16xf32, #tpu.memory_space<vmem_shared>> -> memref<640x16xf32, #tpu.memory_space<vmem_shared>>
      tpu.wait_dma2 semaphore(%run_scoped3A : memref<!tpu.dma_semaphore, #tpu.memory_space<semaphore_mem>>) src(%dma_wait3A_26 : memref<640x16xf32, #tpu.memory_space<vmem_shared>>) dst(%dma_wait3A_24 : memref<640x16xf32, #tpu.memory_space<hbm>>)
      tpu.yield
    }) : () -> ()
    return
  }
}

#map = affine_map<(d0, d1) -> (0, 0)>
#map1 = affine_map<(d0, d1) -> (0, 0, 0)>
module attributes {stable_mosaic.version = 14 : i64} {
  func.func @k(%arg0: i32, %arg1: i32, %arg2: memref<10240x1xf32, #tpu.memory_space<hbm>>, %arg3: memref<32x80x128xi32, #tpu.memory_space<hbm>>, %arg4: memref<32x80x128xi32, #tpu.memory_space<hbm>>, %arg5: memref<10240x1xf32, #tpu.memory_space<hbm>>, %arg6: memref<2x10240x1xf32, #tpu.memory_space<hbm>>, %arg7: memref<80x128xi32, #tpu.memory_space<vmem>>, %arg8: memref<80x128xi32, #tpu.memory_space<vmem>>, %arg9: memref<128x1xf32, #tpu.memory_space<vmem>>, %arg10: memref<10240x1xf32, #tpu.memory_space<vmem_shared>>, %arg11: memref<!tpu.dma_semaphore, #tpu.memory_space<semaphore_mem>>) attributes {dimension_semantics = [#tpu.dimension_semantics<core_parallel>, #tpu.dimension_semantics<subcore_parallel>], iteration_bounds = array<i64: 2, 16>, scalar_prefetch = 0 : i64, scratch_operands = 5 : i64, tpu.core_type = #tpu.core_type<sc_vector_subcore>, window_params = [{transform_indices = #map}, {transform_indices = #map1}, {transform_indices = #map1}, {transform_indices = #map}, {transform_indices = #map1}]} {
    %mul3A = arith.constant 16 : i32
    %mul3A_0 = arith.muli %arg0, %mul3A : i32
    %add3A = arith.addi %mul3A_0, %arg1 : i32
    %eq3A = arith.constant 0 : i32
    %eq3A_1 = arith.cmpi eq, %arg1, %eq3A : i32
    %convert_element_type3A = arith.extui %eq3A_1 : i1 to i32
    %cond3A = arith.constant 0 : i32
    %cond3A_2 = arith.cmpi ne, %convert_element_type3A, %cond3A : i32
    scf.if %cond3A_2 {
      "tpu.region"() ({
        %run_scoped3A = tpu.sem_alloc : memref<!tpu.dma_semaphore, #tpu.memory_space<semaphore_mem>>
        tpu.enqueue_dma source(%arg5 : memref<10240x1xf32, #tpu.memory_space<hbm>>) target(%arg10 : memref<10240x1xf32, #tpu.memory_space<vmem_shared>>) target_semaphore(%run_scoped3A : memref<!tpu.dma_semaphore, #tpu.memory_space<semaphore_mem>>)
        tpu.wait_dma2 semaphore(%run_scoped3A : memref<!tpu.dma_semaphore, #tpu.memory_space<semaphore_mem>>) src(%arg5 : memref<10240x1xf32, #tpu.memory_space<hbm>>) dst(%arg10 : memref<10240x1xf32, #tpu.memory_space<vmem_shared>>)
        tpu.yield
      }) : () -> ()
    } else {
    }
    "tpu.region"() ({
      %run_scoped3A = tpu.sem_alloc : memref<!tpu.dma_semaphore, #tpu.memory_space<semaphore_mem>>
      %dma_start3A = arith.constant 0 : i32
      %dma_start3A_13 = arith.constant 0 : i32
      %dma_start3A_14 = tpu.memref_slice %arg3[%add3A, %dma_start3A, %dma_start3A_13] : memref<32x80x128xi32, #tpu.memory_space<hbm>> -> memref<1x80x128xi32, #tpu.memory_space<hbm>>
      %dma_start3A_15 = tpu.memref_squeeze %dma_start3A_14 : memref<1x80x128xi32, #tpu.memory_space<hbm>> -> memref<80x128xi32, #tpu.memory_space<hbm>>
      %dma_start3A_16 = arith.constant 0 : i32
      %dma_start3A_17 = arith.constant 0 : i32
      %dma_start3A_18 = tpu.memref_slice %arg3[%add3A, %dma_start3A_16, %dma_start3A_17] : memref<32x80x128xi32, #tpu.memory_space<hbm>> -> memref<1x80x128xi32, #tpu.memory_space<hbm>>
      %dma_start3A_19 = tpu.memref_squeeze %dma_start3A_18 : memref<1x80x128xi32, #tpu.memory_space<hbm>> -> memref<80x128xi32, #tpu.memory_space<hbm>>
      tpu.enqueue_dma source(%dma_start3A_19 : memref<80x128xi32, #tpu.memory_space<hbm>>) target(%arg7 : memref<80x128xi32, #tpu.memory_space<vmem>>) target_semaphore(%run_scoped3A : memref<!tpu.dma_semaphore, #tpu.memory_space<semaphore_mem>>)
      %dma_wait3A = arith.constant 0 : i32
      %dma_wait3A_20 = arith.constant 0 : i32
      %dma_wait3A_21 = tpu.memref_slice %arg3[%add3A, %dma_wait3A, %dma_wait3A_20] : memref<32x80x128xi32, #tpu.memory_space<hbm>> -> memref<1x80x128xi32, #tpu.memory_space<hbm>>
      %dma_wait3A_22 = tpu.memref_squeeze %dma_wait3A_21 : memref<1x80x128xi32, #tpu.memory_space<hbm>> -> memref<80x128xi32, #tpu.memory_space<hbm>>
      %dma_wait3A_23 = arith.constant 0 : i32
      %dma_wait3A_24 = arith.constant 0 : i32
      %dma_wait3A_25 = tpu.memref_slice %arg3[%add3A, %dma_wait3A_23, %dma_wait3A_24] : memref<32x80x128xi32, #tpu.memory_space<hbm>> -> memref<1x80x128xi32, #tpu.memory_space<hbm>>
      %dma_wait3A_26 = tpu.memref_squeeze %dma_wait3A_25 : memref<1x80x128xi32, #tpu.memory_space<hbm>> -> memref<80x128xi32, #tpu.memory_space<hbm>>
      tpu.wait_dma2 semaphore(%run_scoped3A : memref<!tpu.dma_semaphore, #tpu.memory_space<semaphore_mem>>) src(%dma_wait3A_26 : memref<80x128xi32, #tpu.memory_space<hbm>>) dst(%arg7 : memref<80x128xi32, #tpu.memory_space<vmem>>)
      tpu.yield
    }) : () -> ()
    "tpu.region"() ({
      %run_scoped3A = tpu.sem_alloc : memref<!tpu.dma_semaphore, #tpu.memory_space<semaphore_mem>>
      %dma_start3A = arith.constant 0 : i32
      %dma_start3A_13 = arith.constant 0 : i32
      %dma_start3A_14 = tpu.memref_slice %arg4[%add3A, %dma_start3A, %dma_start3A_13] : memref<32x80x128xi32, #tpu.memory_space<hbm>> -> memref<1x80x128xi32, #tpu.memory_space<hbm>>
      %dma_start3A_15 = tpu.memref_squeeze %dma_start3A_14 : memref<1x80x128xi32, #tpu.memory_space<hbm>> -> memref<80x128xi32, #tpu.memory_space<hbm>>
      %dma_start3A_16 = arith.constant 0 : i32
      %dma_start3A_17 = arith.constant 0 : i32
      %dma_start3A_18 = tpu.memref_slice %arg4[%add3A, %dma_start3A_16, %dma_start3A_17] : memref<32x80x128xi32, #tpu.memory_space<hbm>> -> memref<1x80x128xi32, #tpu.memory_space<hbm>>
      %dma_start3A_19 = tpu.memref_squeeze %dma_start3A_18 : memref<1x80x128xi32, #tpu.memory_space<hbm>> -> memref<80x128xi32, #tpu.memory_space<hbm>>
      tpu.enqueue_dma source(%dma_start3A_19 : memref<80x128xi32, #tpu.memory_space<hbm>>) target(%arg8 : memref<80x128xi32, #tpu.memory_space<vmem>>) target_semaphore(%run_scoped3A : memref<!tpu.dma_semaphore, #tpu.memory_space<semaphore_mem>>)
      %dma_wait3A = arith.constant 0 : i32
      %dma_wait3A_20 = arith.constant 0 : i32
      %dma_wait3A_21 = tpu.memref_slice %arg4[%add3A, %dma_wait3A, %dma_wait3A_20] : memref<32x80x128xi32, #tpu.memory_space<hbm>> -> memref<1x80x128xi32, #tpu.memory_space<hbm>>
      %dma_wait3A_22 = tpu.memref_squeeze %dma_wait3A_21 : memref<1x80x128xi32, #tpu.memory_space<hbm>> -> memref<80x128xi32, #tpu.memory_space<hbm>>
      %dma_wait3A_23 = arith.constant 0 : i32
      %dma_wait3A_24 = arith.constant 0 : i32
      %dma_wait3A_25 = tpu.memref_slice %arg4[%add3A, %dma_wait3A_23, %dma_wait3A_24] : memref<32x80x128xi32, #tpu.memory_space<hbm>> -> memref<1x80x128xi32, #tpu.memory_space<hbm>>
      %dma_wait3A_26 = tpu.memref_squeeze %dma_wait3A_25 : memref<1x80x128xi32, #tpu.memory_space<hbm>> -> memref<80x128xi32, #tpu.memory_space<hbm>>
      tpu.wait_dma2 semaphore(%run_scoped3A : memref<!tpu.dma_semaphore, #tpu.memory_space<semaphore_mem>>) src(%dma_wait3A_26 : memref<80x128xi32, #tpu.memory_space<hbm>>) dst(%arg8 : memref<80x128xi32, #tpu.memory_space<vmem>>)
      tpu.yield
    }) : () -> ()
    %barrier3A = arith.constant 0 : index
    tpu.barrier barrier_id(%barrier3A)
    %scan3A = arith.constant 0 : i32
    %scan3A_3 = arith.constant 0 : i32
    %scan3A_4 = arith.constant 80 : i32
    %scan3A_5 = arith.addi %scan3A_3, %scan3A_4 : i32
    %scan3A_6 = arith.constant 1 : i32
    scf.for %scan3A_13 = %scan3A_3 to %scan3A_5 step %scan3A_6  : i32 {
      %dma_start3A = arith.constant 0 : i32
      %dma_start3A_14 = tpu.memref_slice %arg7[%scan3A_13, %dma_start3A] : memref<80x128xi32, #tpu.memory_space<vmem>> -> memref<1x128xi32, #tpu.memory_space<vmem>>
      %dma_start3A_15 = tpu.memref_squeeze %dma_start3A_14 : memref<1x128xi32, #tpu.memory_space<vmem>> -> memref<128xi32, #tpu.memory_space<vmem>>
      %dma_start3A_16 = arith.constant 0 : i32
      %dma_start3A_17 = arith.constant 0 : i32
      %dma_start3A_18 = tpu.memref_slice %arg2[%dma_start3A_16, %dma_start3A_17] : memref<10240x1xf32, #tpu.memory_space<hbm>> -> memref<10240x1xf32, #tpu.memory_space<hbm>>
      tpu.enqueue_indirect_dma source(%dma_start3A_18 : memref<10240x1xf32, #tpu.memory_space<hbm>>) target(%arg9 : memref<128x1xf32, #tpu.memory_space<vmem>>) offsets(%dma_start3A_15 : memref<128xi32, #tpu.memory_space<vmem>>) semaphore(%arg11 : memref<!tpu.dma_semaphore, #tpu.memory_space<semaphore_mem>>)
      %dma_wait3A = arith.constant 0 : i32
      %dma_wait3A_19 = tpu.memref_slice %arg7[%scan3A_13, %dma_wait3A] : memref<80x128xi32, #tpu.memory_space<vmem>> -> memref<1x128xi32, #tpu.memory_space<vmem>>
      %dma_wait3A_20 = tpu.memref_squeeze %dma_wait3A_19 : memref<1x128xi32, #tpu.memory_space<vmem>> -> memref<128xi32, #tpu.memory_space<vmem>>
      %dma_wait3A_21 = arith.constant 0 : i32
      %dma_wait3A_22 = arith.constant 0 : i32
      %dma_wait3A_23 = tpu.memref_slice %arg2[%dma_wait3A_21, %dma_wait3A_22] : memref<10240x1xf32, #tpu.memory_space<hbm>> -> memref<10240x1xf32, #tpu.memory_space<hbm>>
      tpu.wait_indirect_dma semaphore(%arg11 : memref<!tpu.dma_semaphore, #tpu.memory_space<semaphore_mem>>) src(%dma_wait3A_23 : memref<10240x1xf32, #tpu.memory_space<hbm>>) dst(%arg9 : memref<128x1xf32, #tpu.memory_space<vmem>>)
      "tpu.region"() ({
        %run_scoped3A = tpu.sem_alloc : memref<!tpu.dma_semaphore, #tpu.memory_space<semaphore_mem>>
        %dma_start3A_24 = arith.constant 0 : i32
        %dma_start3A_25 = tpu.memref_slice %arg8[%scan3A_13, %dma_start3A_24] : memref<80x128xi32, #tpu.memory_space<vmem>> -> memref<1x128xi32, #tpu.memory_space<vmem>>
        %dma_start3A_26 = tpu.memref_squeeze %dma_start3A_25 : memref<1x128xi32, #tpu.memory_space<vmem>> -> memref<128xi32, #tpu.memory_space<vmem>>
        %dma_start3A_27 = arith.constant 0 : i32
        %dma_start3A_28 = arith.constant 0 : i32
        %dma_start3A_29 = tpu.memref_slice %arg10[%dma_start3A_27, %dma_start3A_28] : memref<10240x1xf32, #tpu.memory_space<vmem_shared>> -> memref<10240x1xf32, #tpu.memory_space<vmem_shared>>
        tpu.enqueue_indirect_dma source(%arg9 : memref<128x1xf32, #tpu.memory_space<vmem>>) target(%dma_start3A_29 : memref<10240x1xf32, #tpu.memory_space<vmem_shared>>) offsets(%dma_start3A_26 : memref<128xi32, #tpu.memory_space<vmem>>) semaphore(%run_scoped3A : memref<!tpu.dma_semaphore, #tpu.memory_space<semaphore_mem>>) {add = true}
        %dma_wait3A_30 = arith.constant 0 : i32
        %dma_wait3A_31 = tpu.memref_slice %arg8[%scan3A_13, %dma_wait3A_30] : memref<80x128xi32, #tpu.memory_space<vmem>> -> memref<1x128xi32, #tpu.memory_space<vmem>>
        %dma_wait3A_32 = tpu.memref_squeeze %dma_wait3A_31 : memref<1x128xi32, #tpu.memory_space<vmem>> -> memref<128xi32, #tpu.memory_space<vmem>>
        %dma_wait3A_33 = arith.constant 0 : i32
        %dma_wait3A_34 = arith.constant 0 : i32
        %dma_wait3A_35 = tpu.memref_slice %arg10[%dma_wait3A_33, %dma_wait3A_34] : memref<10240x1xf32, #tpu.memory_space<vmem_shared>> -> memref<10240x1xf32, #tpu.memory_space<vmem_shared>>
        tpu.wait_indirect_dma semaphore(%run_scoped3A : memref<!tpu.dma_semaphore, #tpu.memory_space<semaphore_mem>>) src(%arg9 : memref<128x1xf32, #tpu.memory_space<vmem>>) dst(%dma_wait3A_35 : memref<10240x1xf32, #tpu.memory_space<vmem_shared>>)
        tpu.yield
      }) : () -> ()
    }
    %scan3A_7 = arith.constant 80 : i32
    %barrier3A_8 = arith.constant 0 : index
    tpu.barrier barrier_id(%barrier3A_8)
    %mul3A_9 = arith.constant 640 : i32
    %mul3A_10 = arith.muli %arg1, %mul3A_9 : i32
    %mul3A_11 = arith.constant 640 : i32
    %mul3A_12 = arith.muli %arg1, %mul3A_11 : i32
    "tpu.region"() ({
      %run_scoped3A = tpu.sem_alloc : memref<!tpu.dma_semaphore, #tpu.memory_space<semaphore_mem>>
      %dma_start3A = arith.constant 0 : i32
      %dma_start3A_13 = arith.constant 0 : i32
      %dma_start3A_14 = tpu.memref_slice %arg6[%arg0, %dma_start3A, %dma_start3A_13] : memref<2x10240x1xf32, #tpu.memory_space<hbm>> -> memref<1x10240x1xf32, #tpu.memory_space<hbm>>
      %dma_start3A_15 = tpu.memref_squeeze %dma_start3A_14 : memref<1x10240x1xf32, #tpu.memory_space<hbm>> -> memref<10240x1xf32, #tpu.memory_space<hbm>>
      %dma_start3A_16 = arith.constant 0 : i32
      %dma_start3A_17 = tpu.memref_slice %dma_start3A_15[%mul3A_12, %dma_start3A_16] : memref<10240x1xf32, #tpu.memory_space<hbm>> -> memref<640x1xf32, #tpu.memory_space<hbm>>
      %dma_start3A_18 = arith.constant 0 : i32
      %dma_start3A_19 = tpu.memref_slice %arg10[%mul3A_10, %dma_start3A_18] : memref<10240x1xf32, #tpu.memory_space<vmem_shared>> -> memref<640x1xf32, #tpu.memory_space<vmem_shared>>
      tpu.enqueue_dma source(%dma_start3A_19 : memref<640x1xf32, #tpu.memory_space<vmem_shared>>) target(%dma_start3A_17 : memref<640x1xf32, #tpu.memory_space<hbm>>) target_semaphore(%run_scoped3A : memref<!tpu.dma_semaphore, #tpu.memory_space<semaphore_mem>>)
      %dma_wait3A = arith.constant 0 : i32
      %dma_wait3A_20 = arith.constant 0 : i32
      %dma_wait3A_21 = tpu.memref_slice %arg6[%arg0, %dma_wait3A, %dma_wait3A_20] : memref<2x10240x1xf32, #tpu.memory_space<hbm>> -> memref<1x10240x1xf32, #tpu.memory_space<hbm>>
      %dma_wait3A_22 = tpu.memref_squeeze %dma_wait3A_21 : memref<1x10240x1xf32, #tpu.memory_space<hbm>> -> memref<10240x1xf32, #tpu.memory_space<hbm>>
      %dma_wait3A_23 = arith.constant 0 : i32
      %dma_wait3A_24 = tpu.memref_slice %dma_wait3A_22[%mul3A_12, %dma_wait3A_23] : memref<10240x1xf32, #tpu.memory_space<hbm>> -> memref<640x1xf32, #tpu.memory_space<hbm>>
      %dma_wait3A_25 = arith.constant 0 : i32
      %dma_wait3A_26 = tpu.memref_slice %arg10[%mul3A_10, %dma_wait3A_25] : memref<10240x1xf32, #tpu.memory_space<vmem_shared>> -> memref<640x1xf32, #tpu.memory_space<vmem_shared>>
      tpu.wait_dma2 semaphore(%run_scoped3A : memref<!tpu.dma_semaphore, #tpu.memory_space<semaphore_mem>>) src(%dma_wait3A_26 : memref<640x1xf32, #tpu.memory_space<vmem_shared>>) dst(%dma_wait3A_24 : memref<640x1xf32, #tpu.memory_space<hbm>>)
      tpu.yield
    }) : () -> ()
    return
  }
}

module attributes {stable_mosaic.version = 14 : i64} {
  func.func @_k2_body(%arg0: i32, %arg1: memref<1000x128xf32, #tpu.memory_space<vmem>>, %arg2: memref<2x1000x1xf32, #tpu.memory_space<vmem>>, %arg3: memref<128x16xf32, #tpu.memory_space<vmem>>, %arg4: memref<1000x16xf32, #tpu.memory_space<vmem>>, %arg5: memref<1000x1xf32, #tpu.memory_space<vmem>>) attributes {dimension_semantics = [#tpu.dimension_semantics<arbitrary>], iteration_bounds = array<i64: 10>, scalar_prefetch = 0 : i64, scratch_operands = 0 : i64, tpu.core_type = #tpu.core_type<tc>, window_params = [{transform_indices = @transform_0, window_bounds = array<i64: 1000, 128>}, {transform_indices = @transform_1, window_bounds = array<i64: 2, 1000, 1>}, {pipeline_mode = #tpu.pipeline_mode<synchronous>, transform_indices = @transform_2, window_bounds = array<i64: 128, 16>}, {transform_indices = @transform_3, window_bounds = array<i64: 1000, 16>}, {transform_indices = @transform_4, window_bounds = array<i64: 1000, 1>}]} {
    %get3A = arith.constant 0 : index
    %get3A_0 = arith.constant 0 : index
    %get3A_1 = arith.constant 0 : index
    %get3A_2 = vector.load %arg2[%get3A, %get3A_0, %get3A_1] : memref<2x1000x1xf32, #tpu.memory_space<vmem>>, vector<1x1000x1xf32>
    %get3A_3 = vector.shape_cast %get3A_2 : vector<1x1000x1xf32> to vector<1000x1xf32>
    %get3A_4 = arith.constant 1 : index
    %get3A_5 = arith.constant 0 : index
    %get3A_6 = arith.constant 0 : index
    %get3A_7 = vector.load %arg2[%get3A_4, %get3A_5, %get3A_6] : memref<2x1000x1xf32, #tpu.memory_space<vmem>>, vector<1x1000x1xf32>
    %get3A_8 = vector.shape_cast %get3A_7 : vector<1x1000x1xf32> to vector<1000x1xf32>
    %add3A = arith.addf %get3A_3, %get3A_8 : vector<1000x1xf32>
    %add3A_9 = arith.constant 1.000000e+00 : f32
    %add3A_10 = vector.broadcast %add3A_9 : f32 to vector<1000x1xf32>
    %add3A_11 = arith.addf %add3A, %add3A_10 : vector<1000x1xf32>
    %rsqrt3A = math.rsqrt %add3A_11 : vector<1000x1xf32>
    %get3A_12 = arith.constant 0 : index
    %get3A_13 = arith.constant 0 : index
    %get3A_14 = vector.load %arg1[%get3A_12, %get3A_13] : memref<1000x128xf32, #tpu.memory_space<vmem>>, vector<1000x128xf32>
    %get3A_15 = arith.constant 0 : index
    %get3A_16 = arith.constant 0 : index
    %get3A_17 = vector.load %arg3[%get3A_15, %get3A_16] : memref<128x16xf32, #tpu.memory_space<vmem>>, vector<128x16xf32>
    %dot_general3A = arith.constant dense<0.000000e+00> : vector<1000x16xf32>
    %dot_general3A_18 = tpu.matmul %get3A_14, %get3A_17, %dot_general3A {dimension_numbers = #tpu.dot_dimension_numbers<[1], [0], [0], [1], [0, 0, 1, 1], [], []>, transpose_lhs_hint = false} : vector<1000x128xf32>, vector<128x16xf32>, vector<1000x16xf32> -> vector<1000x16xf32>
    %mul3A = vector.broadcast %rsqrt3A : vector<1000x1xf32> to vector<1000x16xf32>
    %mul3A_19 = arith.mulf %dot_general3A_18, %mul3A : vector<1000x16xf32>
    %swap3A = arith.constant 0 : index
    %swap3A_20 = arith.constant 0 : index
    %swap3A_21 = vector.load %arg4[%swap3A, %swap3A_20] : memref<1000x16xf32, #tpu.memory_space<vmem>>, vector<1000x16xf32>
    tpu.vector_store %arg4[%swap3A, %swap3A_20], %mul3A_19 {strides = array<i32>} : memref<1000x16xf32, #tpu.memory_space<vmem>>, vector<1000x16xf32>,
    %swap3A_22 = arith.constant 0 : index
    %swap3A_23 = arith.constant 0 : index
    %swap3A_24 = vector.load %arg5[%swap3A_22, %swap3A_23] : memref<1000x1xf32, #tpu.memory_space<vmem>>, vector<1000x1xf32>
    tpu.vector_store %arg5[%swap3A_22, %swap3A_23], %rsqrt3A {strides = array<i32>} : memref<1000x1xf32, #tpu.memory_space<vmem>>, vector<1000x1xf32>,
    return
  }
  func.func @transform_0(%arg0: i32) -> (i32, i32) {
    %c0_i32 = arith.constant 0 : i32
    %c0_i32_0 = arith.constant 0 : i32
    return %arg0, %c0_i32 : i32, i32
  }
  func.func @transform_1(%arg0: i32) -> (i32, i32, i32) {
    %c0_i32 = arith.constant 0 : i32
    %c0_i32_0 = arith.constant 0 : i32
    %c0_i32_1 = arith.constant 0 : i32
    return %c0_i32, %arg0, %c0_i32_0 : i32, i32, i32
  }
  func.func @transform_2(%arg0: i32) -> (i32, i32) {
    %c0_i32 = arith.constant 0 : i32
    %c0_i32_0 = arith.constant 0 : i32
    %c0_i32_1 = arith.constant 0 : i32
    return %c0_i32, %c0_i32_0 : i32, i32
  }
  func.func @transform_3(%arg0: i32) -> (i32, i32) {
    %c0_i32 = arith.constant 0 : i32
    %c0_i32_0 = arith.constant 0 : i32
    return %arg0, %c0_i32 : i32, i32
  }
  func.func @transform_4(%arg0: i32) -> (i32, i32) {
    %c0_i32 = arith.constant 0 : i32
    %c0_i32_0 = arith.constant 0 : i32
    return %arg0, %c0_i32 : i32, i32
  }
}

module attributes {stable_mosaic.version = 14 : i64} {
  func.func @_k4_body(%arg0: i32, %arg1: memref<2x1000x16xf32, #tpu.memory_space<vmem>>, %arg2: memref<1000x16xf32, #tpu.memory_space<vmem>>, %arg3: memref<1000x1xf32, #tpu.memory_space<vmem>>, %arg4: memref<1x16xf32, #tpu.memory_space<vmem>>, %arg5: memref<1x16xf32, #tpu.memory_space<vmem>>, %arg6: memref<1000x1xf32, #tpu.memory_space<vmem>>) attributes {dimension_semantics = [#tpu.dimension_semantics<arbitrary>], iteration_bounds = array<i64: 10>, scalar_prefetch = 0 : i64, scratch_operands = 0 : i64, tpu.core_type = #tpu.core_type<tc>, window_params = [{transform_indices = @transform_0, window_bounds = array<i64: 2, 1000, 16>}, {transform_indices = @transform_1, window_bounds = array<i64: 1000, 16>}, {transform_indices = @transform_2, window_bounds = array<i64: 1000, 1>}, {pipeline_mode = #tpu.pipeline_mode<synchronous>, transform_indices = @transform_3, window_bounds = array<i64: 1, 16>}, {pipeline_mode = #tpu.pipeline_mode<synchronous>, transform_indices = @transform_4, window_bounds = array<i64: 1, 16>}, {transform_indices = @transform_5, window_bounds = array<i64: 1000, 1>}]} {
    %get3A = arith.constant 0 : index
    %get3A_0 = arith.constant 0 : index
    %get3A_1 = arith.constant 0 : index
    %get3A_2 = vector.load %arg1[%get3A, %get3A_0, %get3A_1] : memref<2x1000x16xf32, #tpu.memory_space<vmem>>, vector<1x1000x16xf32>
    %get3A_3 = vector.shape_cast %get3A_2 : vector<1x1000x16xf32> to vector<1000x16xf32>
    %get3A_4 = arith.constant 1 : index
    %get3A_5 = arith.constant 0 : index
    %get3A_6 = arith.constant 0 : index
    %get3A_7 = vector.load %arg1[%get3A_4, %get3A_5, %get3A_6] : memref<2x1000x16xf32, #tpu.memory_space<vmem>>, vector<1x1000x16xf32>
    %get3A_8 = vector.shape_cast %get3A_7 : vector<1x1000x16xf32> to vector<1000x16xf32>
    %add3A = arith.addf %get3A_3, %get3A_8 : vector<1000x16xf32>
    %get3A_9 = arith.constant 0 : index
    %get3A_10 = arith.constant 0 : index
    %get3A_11 = vector.load %arg3[%get3A_9, %get3A_10] : memref<1000x1xf32, #tpu.memory_space<vmem>>, vector<1000x1xf32>
    %get3A_12 = arith.constant 0 : index
    %get3A_13 = arith.constant 0 : index
    %get3A_14 = vector.load %arg2[%get3A_12, %get3A_13] : memref<1000x16xf32, #tpu.memory_space<vmem>>, vector<1000x16xf32>
    %add3A_15 = arith.addf %add3A, %get3A_14 : vector<1000x16xf32>
    %mul3A = vector.broadcast %get3A_11 : vector<1000x1xf32> to vector<1000x16xf32>
    %mul3A_16 = arith.mulf %add3A_15, %mul3A : vector<1000x16xf32>
    %get3A_17 = arith.constant 0 : index
    %get3A_18 = arith.constant 0 : index
    %get3A_19 = vector.load %arg5[%get3A_17, %get3A_18] : memref<1x16xf32, #tpu.memory_space<vmem>>, vector<1x16xf32>
    %add3A_20 = vector.broadcast %get3A_19 : vector<1x16xf32> to vector<1000x16xf32>
    %add3A_21 = arith.addf %mul3A_16, %add3A_20 : vector<1000x16xf32>
    %max3A = arith.constant 0.000000e+00 : f32
    %max3A_22 = vector.broadcast %max3A : f32 to vector<1000x16xf32>
    %max3A_23 = arith.maximumf %add3A_21, %max3A_22 : vector<1000x16xf32>
    %get3A_24 = arith.constant 0 : index
    %get3A_25 = arith.constant 0 : index
    %get3A_26 = vector.load %arg4[%get3A_24, %get3A_25] : memref<1x16xf32, #tpu.memory_space<vmem>>, vector<1x16xf32>
    %mul3A_27 = vector.broadcast %get3A_26 : vector<1x16xf32> to vector<1000x16xf32>
    %mul3A_28 = arith.mulf %max3A_23, %mul3A_27 : vector<1000x16xf32>
    %reduce_sum3A = arith.constant dense<0.000000e+00> : vector<1000xf32>
    %reduce_sum3A_29 = vector.multi_reduction <add>, %mul3A_28, %reduce_sum3A [1] : vector<1000x16xf32> to vector<1000xf32>
    %broadcast_in_dim3A = vector.shape_cast %reduce_sum3A_29 : vector<1000xf32> to vector<1000x1xf32>
    %mul3A_30 = arith.mulf %broadcast_in_dim3A, %get3A_11 : vector<1000x1xf32>
    %swap3A = arith.constant 0 : index
    %swap3A_31 = arith.constant 0 : index
    %swap3A_32 = vector.load %arg6[%swap3A, %swap3A_31] : memref<1000x1xf32, #tpu.memory_space<vmem>>, vector<1000x1xf32>
    tpu.vector_store %arg6[%swap3A, %swap3A_31], %mul3A_30 {strides = array<i32>} : memref<1000x1xf32, #tpu.memory_space<vmem>>, vector<1000x1xf32>,
    return
  }
  func.func @transform_0(%arg0: i32) -> (i32, i32, i32) {
    %c0_i32 = arith.constant 0 : i32
    %c0_i32_0 = arith.constant 0 : i32
    %c0_i32_1 = arith.constant 0 : i32
    return %c0_i32, %arg0, %c0_i32_0 : i32, i32, i32
  }
  func.func @transform_1(%arg0: i32) -> (i32, i32) {
    %c0_i32 = arith.constant 0 : i32
    %c0_i32_0 = arith.constant 0 : i32
    return %arg0, %c0_i32 : i32, i32
  }
  func.func @transform_2(%arg0: i32) -> (i32, i32) {
    %c0_i32 = arith.constant 0 : i32
    %c0_i32_0 = arith.constant 0 : i32
    return %arg0, %c0_i32 : i32, i32
  }
  func.func @transform_3(%arg0: i32) -> (i32, i32) {
    %c0_i32 = arith.constant 0 : i32
    %c0_i32_0 = arith.constant 0 : i32
    %c0_i32_1 = arith.constant 0 : i32
    return %c0_i32, %c0_i32_0 : i32, i32
  }
  func.func @transform_4(%arg0: i32) -> (i32, i32) {
    %c0_i32 = arith.constant 0 : i32
    %c0_i32_0 = arith.constant 0 : i32
    %c0_i32_1 = arith.constant 0 : i32
    return %c0_i32, %c0_i32_0 : i32, i32
  }
  func.func @transform_5(%arg0: i32) -> (i32, i32) {
    %c0_i32 = arith.constant 0 : i32
    %c0_i32_0 = arith.constant 0 : i32
    return %arg0, %c0_i32 : i32, i32
  }
}

module attributes {stable_mosaic.version = 14 : i64} {
  func.func @_k6_body(%arg0: i32, %arg1: memref<2x1000x1xf32, #tpu.memory_space<vmem>>, %arg2: memref<1000x1xf32, #tpu.memory_space<vmem>>, %arg3: memref<1000x1xf32, #tpu.memory_space<vmem>>, %arg4: memref<1x1xf32, #tpu.memory_space<vmem>>, %arg5: memref<1000x1xf32, #tpu.memory_space<vmem>>) attributes {dimension_semantics = [#tpu.dimension_semantics<arbitrary>], iteration_bounds = array<i64: 10>, scalar_prefetch = 0 : i64, scratch_operands = 0 : i64, tpu.core_type = #tpu.core_type<tc>, window_params = [{transform_indices = @transform_0, window_bounds = array<i64: 2, 1000, 1>}, {transform_indices = @transform_1, window_bounds = array<i64: 1000, 1>}, {transform_indices = @transform_2, window_bounds = array<i64: 1000, 1>}, {pipeline_mode = #tpu.pipeline_mode<synchronous>, transform_indices = @transform_3, window_bounds = array<i64: 1, 1>}, {transform_indices = @transform_4, window_bounds = array<i64: 1000, 1>}]} {
    %get3A = arith.constant 0 : index
    %get3A_0 = arith.constant 0 : index
    %get3A_1 = arith.constant 0 : index
    %get3A_2 = vector.load %arg1[%get3A, %get3A_0, %get3A_1] : memref<2x1000x1xf32, #tpu.memory_space<vmem>>, vector<1x1000x1xf32>
    %get3A_3 = vector.shape_cast %get3A_2 : vector<1x1000x1xf32> to vector<1000x1xf32>
    %get3A_4 = arith.constant 1 : index
    %get3A_5 = arith.constant 0 : index
    %get3A_6 = arith.constant 0 : index
    %get3A_7 = vector.load %arg1[%get3A_4, %get3A_5, %get3A_6] : memref<2x1000x1xf32, #tpu.memory_space<vmem>>, vector<1x1000x1xf32>
    %get3A_8 = vector.shape_cast %get3A_7 : vector<1x1000x1xf32> to vector<1000x1xf32>
    %add3A = arith.addf %get3A_3, %get3A_8 : vector<1000x1xf32>
    %get3A_9 = arith.constant 0 : index
    %get3A_10 = arith.constant 0 : index
    %get3A_11 = vector.load %arg2[%get3A_9, %get3A_10] : memref<1000x1xf32, #tpu.memory_space<vmem>>, vector<1000x1xf32>
    %add3A_12 = arith.addf %add3A, %get3A_11 : vector<1000x1xf32>
    %get3A_13 = arith.constant 0 : index
    %get3A_14 = arith.constant 0 : index
    %get3A_15 = vector.load %arg3[%get3A_13, %get3A_14] : memref<1000x1xf32, #tpu.memory_space<vmem>>, vector<1000x1xf32>
    %mul3A = arith.mulf %add3A_12, %get3A_15 : vector<1000x1xf32>
    %get3A_16 = arith.constant 0 : index
    %get3A_17 = arith.constant 0 : index
    %get3A_18 = vector.load %arg4[%get3A_16, %get3A_17] : memref<1x1xf32, #tpu.memory_space<vmem>>, vector<1x1xf32>
    %add3A_19 = vector.broadcast %get3A_18 : vector<1x1xf32> to vector<1000x1xf32>
    %add3A_20 = arith.addf %mul3A, %add3A_19 : vector<1000x1xf32>
    %swap3A = arith.constant 0 : index
    %swap3A_21 = arith.constant 0 : index
    %swap3A_22 = vector.load %arg5[%swap3A, %swap3A_21] : memref<1000x1xf32, #tpu.memory_space<vmem>>, vector<1000x1xf32>
    tpu.vector_store %arg5[%swap3A, %swap3A_21], %add3A_20 {strides = array<i32>} : memref<1000x1xf32, #tpu.memory_space<vmem>>, vector<1000x1xf32>,
    return
  }
  func.func @transform_0(%arg0: i32) -> (i32, i32, i32) {
    %c0_i32 = arith.constant 0 : i32
    %c0_i32_0 = arith.constant 0 : i32
    %c0_i32_1 = arith.constant 0 : i32
    return %c0_i32, %arg0, %c0_i32_0 : i32, i32, i32
  }
  func.func @transform_1(%arg0: i32) -> (i32, i32) {
    %c0_i32 = arith.constant 0 : i32
    %c0_i32_0 = arith.constant 0 : i32
    return %arg0, %c0_i32 : i32, i32
  }
  func.func @transform_2(%arg0: i32) -> (i32, i32) {
    %c0_i32 = arith.constant 0 : i32
    %c0_i32_0 = arith.constant 0 : i32
    return %arg0, %c0_i32 : i32, i32
  }
  func.func @transform_3(%arg0: i32) -> (i32, i32) {
    %c0_i32 = arith.constant 0 : i32
    %c0_i32_0 = arith.constant 0 : i32
    %c0_i32_1 = arith.constant 0 : i32
    return %c0_i32, %c0_i32_0 : i32, i32
  }
  func.func @transform_4(%arg0: i32) -> (i32, i32) {
    %c0_i32 = arith.constant 0 : i32
    %c0_i32_0 = arith.constant 0 : i32
    return %arg0, %c0_i32 : i32, i32
  }
}

</mosaic_0001>

<sc_bundles>
// kernel: kernel.11.cloned.1.call-start
scs
__scs_entry_jumppad:
0x0: {  	(pc) =	sbr.rel $0x88, $3  }
0x1: {  	(tag) =	ssettag $0x0;
	lr =	simm.s32 $0x1  }
0x2: {  	[smem:$0x3F9B] =	sst lr;
	_ =	strace $0xD0000000  }
0x3: {  	_ = 	snop  }
0x4: {  	_ = 	snop  }
0x5: {  	_ = 	snop  }
0x6: {  	_ = 	snop  }
0x7: {  	_ = 	snop  }
__scs_overlays_trampoline_lowered:
0x8: {  	[smem:$0x3FAA] =	sst s0  }
0x9: {  	[smem:$0x3FAB] =	sst s1  }
0xa: {  	[smem:$0x3FAC] =	sst s2  }
0xb: {  	[smem:$0x3FAD] =	sst s3  }
0xc: {  	[smem:$0x3FAE] =	sst s4  }
0xd: {  	[smem:$0x3FAF] =	sst s5  }
0xe: {  	[smem:$0x3FB0] =	sst s6  }
0xf: {  	[smem:$0x3FB1] =	sst s7  }
0x10: {  	[smem:$0x3FB2] =	sst s8  }
0x11: {  	[smem:$0x3FB3] =	sst s9;
	s0 =	simm.s32 @!p0 $0x0  }
0x12: {  	s1 =	sld [smem:$0x3F99];
	s0 =	simm.s32 @p0 $0x1  }
0x13: {  	[smem:$0x3FB4] =	sst s0;
	s0 =	simm.s32 @!p1 $0x0  }
0x14: {  	s2 =	sld [smem:$0x3F98];
	s0 =	simm.s32 @p1 $0x1  }
0x15: {  	[smem:$0x3FB5] =	sst s0;
	s0 =	simm.s32 @!p2 $0x0  }
0x16: {  	s3 =	sld [smem:$0x3FDB];
	s0 =	simm.s32 @p2 $0x1  }
0x17: {  	s4 =	simm.s32 $0x1BF5;
	[smem:$0x3FB7] =	sst s0  }
0x18: {  	s0 =	sld [smem:$0x3F9A];
	_ =	swait.ge [sflag:s4], $0x0  }
0x19: {  	s7 =	sld [smem:$0x3F9B]  }
0x1a: {  	s8 =	sadd.s32 $0xFFFFE003, lr  }
0x1b: {  	s9 =	sadd.s32 $0xFFFFFEF7, lr;
	s5 =	simm.s32 $0xFFFFFFFF;
	p2 =	slt.u32 s8, $0xFFFFF086  }
0x1c: {  	p1 =	slt.u32 s9, $0xF7A;
	s5 =	simm.s32 @!p2 $0x0  }
0x1d: {  	s5 =	simm.s32 @p1 $0x1;
	p0 =	seq.s32 s7, s2  }
0x1e: {  	s7 =	smul.u32 @!p0 $0xF7A, s2;
	p2 =	seq.s32 @!p0 s5, $0x0  }
0x1f: {  	s9 =	smul.u32 $0xF7A, s1;
	s8 =	simm.s32 @!p0 $0x1BF5;
	p2 =	por !p2, p0  }
0x20: {  	[sflag:s8] =	ssyncset.s32 @!p0 $0xFFFFF086;
	s6 =	sadd.s32 @!p0 s3, s7;
	s7 =	simm.s32 @!p0 $0x108  }
0x21: {  	s3 =	sadd.s32 s3, s9;
	s6 =	sadd.s32 @!p0 $0x88, s6;
	s7 =	simm.s32 @p2 $0x1082  }
0x22: {  	[simem:s7], [sflag:s8] =	dma.local @!p0 [hbm:s6], $0xF7A  }
0x23: {  	s9 =	sor.u32 $0xD0000000, s2;
	s6 =	simm.s32 $0x108;
	_ =	swait.ge @!p0 [sflag:s8], $0x0  }
0x24: {  	s3 =	sadd.s32 $0x88, s3;
	s6 =	simm.s32 @!p1 $0x1082;
	[sflag:s4] =	ssyncset.s32 $0xFFFFF086  }
0x25: {  	[simem:s6], [sflag:s4] =	dma.local [hbm:s3], $0xF7A  }
0x26: {  	[smem:$0x3F9B] =	sst s1;
	(tag) =	ssettag s2;
	_ =	strace s9  }
0x27: {  	s1 =	sld [smem:$0x3FAB]  }
0x28: {  	s2 =	sld [smem:$0x3FAC]  }
0x29: {  	s4 =	sld [smem:$0x3FAE]  }
0x2a: {  	p0 =	seq.s32 s5, $0x0;
	s5 =	sld [smem:$0x3FAF]  }
0x2b: {  	s6 =	sld [smem:$0x3FB0]  }
0x2c: {  	s7 =	sld [smem:$0x3FB1]  }
0x2d: {  	s3 =	simm.s32 $0x108;
	s8 =	sld [smem:$0x3FB2]  }
0x2e: {  	s3 =	simm.s32 @!p0 $0x1082;
	s9 =	sld [smem:$0x3FB3]  }
0x2f: {  	lr =	sadd.s32 s0, s3;
	s0 =	sld [smem:$0x3FAA]  }
0x30: {  	s3 =	sld [smem:$0x3FAD]  }
0x31: {  	[smem:$0x3FB6] =	sst s10  }
0x32: {  	s10 =	sld [smem:$0x3FB4];
	_ =	sdelay $0x3  }
0x33: {  	p0 =	seq.s32 s10, $0x1;
	s10 =	sld [smem:$0x3FB6];
	_ =	sdelay $0x3  }
0x34: {  	[smem:$0x3FB6] =	sst s10  }
0x35: {  	s10 =	sld [smem:$0x3FB5];
	_ =	sdelay $0x3  }
0x36: {  	p1 =	seq.s32 s10, $0x1;
	s10 =	sld [smem:$0x3FB6];
	_ =	sdelay $0x3  }
0x37: {  	[smem:$0x3FB6] =	sst s10  }
0x38: {  	s10 =	sld [smem:$0x3FB7]  }
0x39: {  	_ = 	snop;
	(pc) =	sbr.ind lr, $3  }
0x3a: {  	_ = 	snop  }
0x3b: {  	_ = 	snop  }
0x3c: {  	p2 =	seq.s32 s10, $0x1;
	s10 =	sld [smem:$0x3FB6]  }
0x3d: {  	_ =	shalt  }
0x3e: {  	_ =	shalt  }
0x3f: {  	_ =	shalt  }
0x40: {  	_ =	shalt  }
0x41: {  	_ =	shalt  }
0x42: {  	_ =	shalt  }
0x43: {  	_ =	shalt  }
0x44: {  	_ =	shalt  }
0x45: {  	_ =	shalt  }
0x46: {  	_ =	shalt  }
0x47: {  	_ =	shalt  }
0x48: {  	_ =	shalt  }
0x49: {  	_ =	shalt  }
0x4a: {  	_ =	shalt  }
0x4b: {  	_ =	shalt  }
0x4c: {  	_ =	shalt  }
0x4d: {  	_ =	shalt  }
0x4e: {  	_ =	shalt  }
0x4f: {  	_ =	shalt  }
0x50: {  	_ =	shalt  }
0x51: {  	_ =	shalt  }
0x52: {  	_ =	shalt  }
0x53: {  	_ =	shalt  }
0x54: {  	_ =	shalt  }
0x55: {  	_ =	shalt  }
0x56: {  	_ =	shalt  }
0x57: {  	_ =	shalt  }
0x58: {  	_ =	shalt  }
0x59: {  	_ =	shalt  }
0x5a: {  	_ =	shalt  }
0x5b: {  	_ =	shalt  }
0x5c: {  	_ =	shalt  }
0x5d: {  	_ =	shalt  }
0x5e: {  	_ =	shalt  }
0x5f: {  	_ =	shalt  }
0x60: {  	_ =	shalt  }
0x61: {  	_ =	shalt  }
0x62: {  	_ =	shalt  }
0x63: {  	_ =	shalt  }
0x64: {  	_ =	shalt  }
0x65: {  	_ =	shalt  }
0x66: {  	_ =	shalt  }
0x67: {  	_ =	shalt  }
0x68: {  	_ =	shalt  }
0x69: {  	_ =	shalt  }
0x6a: {  	_ =	shalt  }
0x6b: {  	_ =	shalt  }
0x6c: {  	_ =	shalt  }
0x6d: {  	_ =	shalt  }
0x6e: {  	_ =	shalt  }
0x6f: {  	_ =	shalt  }
0x70: {  	_ =	shalt  }
0x71: {  	_ =	shalt  }
0x72: {  	_ =	shalt  }
0x73: {  	_ =	shalt  }
0x74: {  	_ =	shalt  }
0x75: {  	_ =	shalt  }
0x76: {  	_ =	shalt  }
0x77: {  	_ =	shalt  }
0x78: {  	_ =	shalt  }
0x79: {  	_ =	shalt  }
0x7a: {  	_ =	shalt  }
0x7b: {  	_ =	shalt  }
0x7c: {  	_ =	shalt  }
0x7d: {  	_ =	shalt  }
0x7e: {  	_ =	shalt  }
0x7f: {  	_ =	shalt  }
0x80: {  	_ =	shalt  }
0x81: {  	_ =	shalt  }
0x82: {  	_ =	shalt  }
0x83: {  	_ =	shalt  }
0x84: {  	_ =	shalt  }
0x85: {  	_ =	shalt  }
0x86: {  	_ =	shalt  }
0x87: {  	_ =	shalt  }
.Lfunc_end0:
.L_simem_size_0:
called_computation.1_lowered:
.L_overlay_start_0:
0x88: {  	s2 =	sld [smem:$0x3FD9]  }
0x89: {  	s3 =	sld [smem:$0x3FFE];
	_ =	sdelay $0x1  }
0x8a: {  	s1 =	srdreg.scid  }
0x8b: {  	s0 =	sand.u32 $0x1, s1  }
0x8c: {  	s16 =	sshll.u32 s0, $0xA;
	s2 =	sadd.s32 s3, s2  }
0x8d: {  	s2 =	sadd.s32 s2, s16  }
0x8e: {  	[smem:$0x3FC2] =	sst s2  }
0x8f: {  	_ = 	snop  }
0x90: {  	(tm) =	ssettm $0x1  }
0x91: {  	s17 =	sld [smem:$0x3FFB];
	_ =	sdelay $0x3  }
0x92: {  	_ =	strace s17  }
0x93: {  	s2 =	sld [smem:$0x3FFC];
	_ =	sdelay $0x3  }
0x94: {  	_ =	strace s2  }
0x95: {  	s2 =	sld [smem:$0x3FFD];
	_ =	sdelay $0x3  }
0x96: {  	_ =	strace s2  }
0x97: {  	_ =	strace $0x8FFFFFFF  }
0x98: {  	s18 =	sld [smem:$0x3FDB];
	_ =	sdelay $0x1  }
0x99: {  	s19 =	simm.s32 $_scs_section_size  }
0x9a: {  	s4 =	simm.s32 $_size__tile_overlayer_lowered;
	s5 =	simm.s32 $_tile_overlayer_lowered  }
0x9b: {  	s22 =	simm.s32 $0x1BFF;
	s21 =	sshll.u32 s5, $0x1;
	s2 =	sadd.s32 s19, s18  }
0x9c: {  	s6 =	simm.s32 $0x0;
	s20 =	sshll.u32 s4, $0x1;
	s4 =	sadd.s32 s21, s2  }
0x9d: {  	[timem:s6], [sflag:s22] =	dma.local [hbm:s4], s20  }
0x9e: {  	_ =	swait.ge [sflag:s22], s20  }
0x9f: {  	s3 =	ssub.s32 $0x0, s20;
	[sflag:s22] =	ssyncset.done $0x0  }
0xa0: {  	[sflag:s22] =	ssyncadd.s32 s3;
	_ =	sdelay $0x1  }
0xa1: {  	s23 =	simm.s32 $0x1B8B  }
0xa2: {  	_ =	swait.ge [sflag:s23], $0x1  }
0xa3: {  	[sflag:s23] =	ssyncset.done $0x0  }
0xa4: {  	s25 =	simm.s32 $0x1B8E;
	s24 =	sld [smem:$0x3FFE];
	[sflag:s23] =	ssyncadd.s32 $0xFFFFFFFF  }
0xa5: {  	s26 =	simm.s32 $execute0_lowered;
	[smem:$0x3FD2] =	sst s25  }
0xa6: {  	s4 =	sshll.u32 s26, $0x1;
	_ =	strace $0x80000049;
	[dreg:$0x1] =	wrdreg $0xFFFFFFFF  }
0xa7: {  	s28 =	simm.s32 $_size_execute0_lowered;
	s2 =	sadd.s32 s2, s4;
	[dreg:$0x0] =	wrdreg $0x0  }
0xa8: {  	s4 =	sshll.u32 s28, $0x1;
	[dreg:$0x2] =	wrdreg s2  }
0xa9: {  	[dreg:$0x3] =	wrdreg s4  }
0xaa: {  	[dreg:$0x4] =	wrdreg $0xC0  }
0xab: {  	_ =	task [dreg:s6], $0x5FFFF  }
0xac: {  	[dreg:$0x1] =	wrdreg $0xFFFFFFFF  }
0xad: {  	[dreg:$0x0] =	wrdreg $0x60  }
0xae: {  	[dreg:$0x2] =	wrdreg s24  }
0xaf: {  	[dreg:$0x3] =	wrdreg $0x58000  }
0xb0: {  	[dreg:$0x4] =	wrdreg $0x9  }
0xb1: {  	_ =	task.clear_ibuf [dreg:s6], $0x5FFFF;
	_ =	strace $0x90000049  }
0xb2: {  	s29 =	simm.s32 $0x9;
	_ =	strace $0x8000004B  }
0xb3: {  	_ =	swait.ge [sflag:s29], $0x1  }
0xb4: {  	[sflag:s29] =	ssyncadd.s32 $0xFFFFFFFF  }
0xb5: {  	_ =	strace $0x9000004B  }
0xb6: {  	_ =	sfence  }
0xb7: {  	s30 =	sld [smem:$0x0];
	_ =	sdelay $0x2  }
0xb8: {  	s31 =	sshll.u32 s1, $0xD;
	s1 =	sshrl.u32 s1, $0x2  }
0xb9: {  	s3 =	sand.u32 $0x4000, s31;
	s1 =	sadd.s32 s1, s30  }
0xba: {  	s0 =	sor.u32 s3, s0;
	s1 =	sshll.u32 s1, $0x11  }
0xbb: {  	s0 =	sor.u32 s1, s0  }
0xbc: {  	s0 =	sadd.s32 $0x8F2B, s0  }
0xbd: {  	[sflag:s0] =	ssyncadd.remote.s32 $0x1  }
0xbe: {  	_ =	sfence.sel $0xFFFF  }
0xbf: {  	[dreg:$0x0] =	wrdreg $0xFFFFFFFF;
	(pc) =	sbr.abs _section_cstart, $3  }
0xc0: {  	[dreg:$0x1] =	wrdreg $0xFFFFFFFF  }
0xc1: {  	_ =	task.clear_ibuf [dreg:s6], $0x2FFFF;
	_ =	strace $0x9FFFFFFF  }
0xc2: {  	(tm) =	ssettm $0x7FFFFFFF  }
0xc3: {  	_ =	shalt  }
tec
execute0_lowered:
.L_overlay_start_1:
0x0: {  	(tag) =	ssettag $0x1  }
0x1: {  	s5 =	rddreg [dreg:$0x0]  }
0x2: {  	s1 =	rddreg [dreg:$0x1];
	s2 =	srdreg.scid  }
0x3: {  	s0 =	rddreg [dreg:$0x2];
	s15 =	stileid.u32;
	s10 =	simm.s32 $0x2800  }
0x4: {  	s11 =	simm.s32 $0x80;
	s12 =	simm.s32 $0x5000;
	s13 =	simm.s32 $0x1  }
0x5: {  	s4 =	sand.u32 $0x1, s2;
	s2 =	simm.s32 $0x0;
	s31 =	smul.u32 $0x2800, s15  }
0x6: {  	p0 =	sne.s32 s15, $0x0;
	s3 =	sshll.u32 s4, $0x4;
	[smem:$0x7FF] =	sst s2  }
0x7: {  	s7 =	smul.u32 $0x5000, s4;
	s8 =	ssub.s32 $0x2, s4;
	s4 =	sadd.s32 $0x1CC00, s5  }
0x8: {  	s3 =	sor.u32 s15, s3;
	_ =	strace $0x8000004A;
	s9 =	sshrl.u32 s8, $0x1  }
0x9: {  	s16 =	sshrl.u32 s31, $0x3;
	s17 =	sadd.s32 s31, s1;
	s15 =	sshll.u32 s15, $0x6  }
0xa: {  	s6 =	smul.u32 $0x500, s3;
	s3 =	sadd.s32 $0x17C00, s5;
	s7 =	sadd.s32 s7, s5  }
0xb: {  	s8 =	ssub.s32 s8, s9;
	s9 =	simm.s32 $0x2;
	s15 =	sor.u32 $0x1C02, s15  }
0xc: {  	s14 =	sadd.s32 $0x21C00, s7;
	s7 =	smax.u32 s8, $0x1;
	s8 =	sshrl.u32 @!p0 s1, $0x3  }
0xd: {  	s6 =	sadd.s32 s6, s5;
	s14 =	sadd.s32 s16, s14;
	s16 =	sshrl.u32 s17, $0x3  }
0xe: {  	s17 =	simm.s32 $0x0;
	s5 =	sadd.s32 $0xB400, s6;
	s6 =	sadd.s32 $0x1400, s6  }
.LBB2_1:
0xf: {  	s18 =	simm.s32 @!p0 $0x1C02  }
0x10: {  	[spmem:s8], [sflag:s18] =	dma.local @!p0 [hbm:s4], $0x5000  }
0x11: {  	s18 =	simm.s32 @!p0 $0x2  }
0x12: {  	_ =	swait.ge @!p0 [sflag:s18], $0x5000  }
0x13: {  	[sflag:s18] =	ssyncset.done @!p0 $0x0  }
0x14: {  	[sflag:s18] =	ssyncadd.s32 @!p0 $0xFFFFB000  }
0x15: {  	[tilespmem:s2], [sflag:$0x2] =	stream.linear.gather [hbm4b:s5+s2], $0x2800, $0x38;
	[tilespmem:$0x8000] =	vst v63  }
0x16: {  	_ =	swait.ge [sflag:s9], $0x2800  }
0x17: {  	[sflag:s9] =	ssyncset.done $0x0  }
0x18: {  	[sflag:s9] =	ssyncadd.s32 $0xFFFFD800  }
0x19: {  	[tilespmem:s10], [sflag:$0x2] =	stream.linear.gather [hbm4b:s6+s2], $0x2800, $0x38;
	[tilespmem:$0x8000] =	vst v63  }
0x1a: {  	_ =	swait.ge [sflag:s9], $0x2800  }
0x1b: {  	[sflag:s9] =	ssyncset.done $0x0  }
0x1c: {  	[sflag:s9] =	ssyncadd.s32 $0xFFFFD800  }
0x1d: {  	s30 =	simm.s32 $0x0;
	[bflag:$0x0] =	sbarrier.arrive $0xFFFF  }
0x1e: {  	[tilespmem:s12], [sflag:$0x1] =	stream.indirect.gather [hbm4b:s3+s11], $0x10, s30, s11, $0xb8;
	[tilespmem:$0x8000] =	vst v63  }
0x1f: {  	_ =	swait.ge [sflag:s13], $0x800  }
0x20: {  	[sflag:s13] =	ssyncset.done $0x0  }
0x21: {  	s31 =	simm.s32 $0x2800;
	[sflag:s13] =	ssyncadd.s32 $0xFFFFF800  }
0x22: {  	[spmem:s1] =	stream.indirect.scatter.add.f32 [tilespmem:s12], [sflag:$0x2], $0x10, s31, s11, $0xb8;
	[tilespmem:$0x8000] =	vst v63  }
0x23: {  	_ =	swait.ge [sflag:s9], $0x800  }
0x24: {  	s19 =	simm.s32 $0x400;
	s18 =	simm.s32 $0x200;
	[sflag:s9] =	ssyncset.done $0x0  }
.LBB2_2:
0x25: {  	s20 =	sshra.s32 s18, $0x2  }
0x26: {  	[sflag:s9] =	ssyncadd.s32 $0xFFFFF800;
	s18 =	smov.u32 s19;
	s21 =	sadd.s32 $0x200, s19  }
0x27: {  	[tilespmem:s12], [sflag:$0x1] =	stream.indirect.gather [hbm4b:s3+s11], $0x10, s20, s11, $0xb8;
	[tilespmem:$0x8000] =	vst v63  }
0x28: {  	p1 =	sne.s32 s19, $0x9E00;
	_ =	swait.ge [sflag:s13], $0x800  }
.Ltmp0:
0x29: {  	[sflag:s13] =	ssyncset.done $0x0;
	(pc) =	sbr.rel @p1 .LBB2_2-.Ltmp0, $4  }
0x2a: {  	s19 =	sadd.s32 $0x2800, s20;
	[sflag:s13] =	ssyncadd.s32 $0xFFFFF800  }
0x2b: {  	[spmem:s1] =	stream.indirect.scatter.add.f32 [tilespmem:s12], [sflag:$0x2], $0x10, s19, s11, $0xb8;
	[tilespmem:$0x8000] =	vst v63  }
0x2c: {  	_ =	swait.ge [sflag:s9], $0x800  }
0x2d: {  	s19 =	smov.u32 s21;
	[sflag:s9] =	ssyncset.done $0x0  }
0x2e: {  	s18 =	sshra.s32 s18, $0x2;
	[sflag:s9] =	ssyncadd.s32 $0xFFFFF800  }
0x2f: {  	[tilespmem:s12], [sflag:$0x1] =	stream.indirect.gather [hbm4b:s3+s11], $0x10, s18, s11, $0xb8;
	[tilespmem:$0x8000] =	vst v63  }
0x30: {  	_ =	swait.ge [sflag:s13], $0x800  }
0x31: {  	[sflag:s13] =	ssyncset.done $0x0  }
0x32: {  	s18 =	sadd.s32 $0x2800, s18;
	[sflag:s13] =	ssyncadd.s32 $0xFFFFF800  }
0x33: {  	[spmem:s1] =	stream.indirect.scatter.add.f32 [tilespmem:s12], [sflag:$0x2], $0x10, s18, s11, $0xb8;
	[tilespmem:$0x8000] =	vst v63  }
0x34: {  	_ =	swait.ge [sflag:s9], $0x800  }
0x35: {  	s17 =	sadd.s32 $0x1, s17;
	[sflag:s9] =	ssyncset.done $0x0  }
0x36: {  	p1 =	sne.s32 s17, s7;
	[sflag:s9] =	ssyncadd.s32 $0xFFFFF800  }
.Ltmp1:
0x37: {  	[bflag:$0x0] =	sbarrier.arrive $0xFFFF;
	(pc) =	sbr.rel @p1 .LBB2_1-.Ltmp1, $4  }
0x38: {  	[hbm:s14], [sflag:s15] =	dma.local [spmem:s16], $0x500  }
0x39: {  	_ =	swait.ge [sflag:s9], $0x500  }
0x3a: {  	[sflag:s9] =	ssyncset.done $0x0  }
0x3b: {  	[sflag:s9] =	ssyncadd.s32 $0xFFFFFB00  }
0x3c: {  	_ =	sfence.sel $0x180000  }
0x3d: {  	[bflag:$0x0] =	sbarrier.arrive $0xFFFF  }
0x3e: {  	_ =	strace $0x9000004A  }
0x3f: {  	s0 =	sadd.s32 @!p0 $0x100000, s0;
	[bflag:$0x2] =	sbarrier.arrive $0xFFFF  }
0x40: {  	[sflag:s0] =	ssyncadd.tile.s32 @!p0 $0x1;
	_ =	shalt  }
.Lfunc_end2:
_tile_overlayer_lowered:
.L_overlay_start_2:
0x41: {  	(tag) =	ssettag $0x2  }
0x42: {  	s0 =	rddreg [dreg:$0x0];
	s2 =	stileid.u32  }
0x43: {  	s1 =	rddreg [dreg:$0x1];
	p0 =	sne.s32 s2, $0x0  }
0x44: {  	s3 =	rddreg [dreg:$0x2];
	[bflag:$0x3] =	sbarrier.arrive $0xFFFF;
	s2 =	simm.s32 @!p0 $0x1C02  }
0x45: {  	[timem:s3], [sflag:s2] =	dma.local @!p0 [hbm:s0], s1  }
0x46: {  	s0 =	simm.s32 @!p0 $0x2  }
0x47: {  	_ =	swait.ge @!p0 [sflag:s0], s1  }
0x48: {  	s1 =	ssub.s32 @!p0 $0x0, s1;
	[sflag:s0] =	ssyncset.done @!p0 $0x0  }
0x49: {  	[sflag:s0] =	ssyncadd.s32 @!p0 s1  }
0x4a: {  	[bflag:$0x3] =	sbarrier.arrive $0xFFFF  }
0x4b: {  	_ =	shalt  }

// kernel: kernel.14.cloned.1.call-start
scs
__scs_entry_jumppad:
0x0: {  	(pc) =	sbr.rel $0x88, $3  }
0x1: {  	(tag) =	ssettag $0x0;
	lr =	simm.s32 $0x1  }
0x2: {  	[smem:$0x3F9B] =	sst lr;
	_ =	strace $0xD0000000  }
0x3: {  	_ = 	snop  }
0x4: {  	_ = 	snop  }
0x5: {  	_ = 	snop  }
0x6: {  	_ = 	snop  }
0x7: {  	_ = 	snop  }
__scs_overlays_trampoline_lowered:
0x8: {  	[smem:$0x3FAA] =	sst s0  }
0x9: {  	[smem:$0x3FAB] =	sst s1  }
0xa: {  	[smem:$0x3FAC] =	sst s2  }
0xb: {  	[smem:$0x3FAD] =	sst s3  }
0xc: {  	[smem:$0x3FAE] =	sst s4  }
0xd: {  	[smem:$0x3FAF] =	sst s5  }
0xe: {  	[smem:$0x3FB0] =	sst s6  }
0xf: {  	[smem:$0x3FB1] =	sst s7  }
0x10: {  	[smem:$0x3FB2] =	sst s8  }
0x11: {  	[smem:$0x3FB3] =	sst s9;
	s0 =	simm.s32 @!p0 $0x0  }
0x12: {  	s1 =	sld [smem:$0x3F99];
	s0 =	simm.s32 @p0 $0x1  }
0x13: {  	[smem:$0x3FB4] =	sst s0;
	s0 =	simm.s32 @!p1 $0x0  }
0x14: {  	s2 =	sld [smem:$0x3F98];
	s0 =	simm.s32 @p1 $0x1  }
0x15: {  	[smem:$0x3FB5] =	sst s0;
	s0 =	simm.s32 @!p2 $0x0  }
0x16: {  	s3 =	sld [smem:$0x3FDB];
	s0 =	simm.s32 @p2 $0x1  }
0x17: {  	s4 =	simm.s32 $0x1BF5;
	[smem:$0x3FB7] =	sst s0  }
0x18: {  	s0 =	sld [smem:$0x3F9A];
	_ =	swait.ge [sflag:s4], $0x0  }
0x19: {  	s7 =	sld [smem:$0x3F9B]  }
0x1a: {  	s8 =	sadd.s32 $0xFFFFE003, lr  }
0x1b: {  	s9 =	sadd.s32 $0xFFFFFEF7, lr;
	s5 =	simm.s32 $0xFFFFFFFF;
	p2 =	slt.u32 s8, $0xFFFFF086  }
0x1c: {  	p1 =	slt.u32 s9, $0xF7A;
	s5 =	simm.s32 @!p2 $0x0  }
0x1d: {  	s5 =	simm.s32 @p1 $0x1;
	p0 =	seq.s32 s7, s2  }
0x1e: {  	s7 =	smul.u32 @!p0 $0xF7A, s2;
	p2 =	seq.s32 @!p0 s5, $0x0  }
0x1f: {  	s9 =	smul.u32 $0xF7A, s1;
	s8 =	simm.s32 @!p0 $0x1BF5;
	p2 =	por !p2, p0  }
0x20: {  	[sflag:s8] =	ssyncset.s32 @!p0 $0xFFFFF086;
	s6 =	sadd.s32 @!p0 s3, s7;
	s7 =	simm.s32 @!p0 $0x108  }
0x21: {  	s3 =	sadd.s32 s3, s9;
	s6 =	sadd.s32 @!p0 $0x88, s6;
	s7 =	simm.s32 @p2 $0x1082  }
0x22: {  	[simem:s7], [sflag:s8] =	dma.local @!p0 [hbm:s6], $0xF7A  }
0x23: {  	s9 =	sor.u32 $0xD0000000, s2;
	s6 =	simm.s32 $0x108;
	_ =	swait.ge @!p0 [sflag:s8], $0x0  }
0x24: {  	s3 =	sadd.s32 $0x88, s3;
	s6 =	simm.s32 @!p1 $0x1082;
	[sflag:s4] =	ssyncset.s32 $0xFFFFF086  }
0x25: {  	[simem:s6], [sflag:s4] =	dma.local [hbm:s3], $0xF7A  }
0x26: {  	[smem:$0x3F9B] =	sst s1;
	(tag) =	ssettag s2;
	_ =	strace s9  }
0x27: {  	s1 =	sld [smem:$0x3FAB]  }
0x28: {  	s2 =	sld [smem:$0x3FAC]  }
0x29: {  	s4 =	sld [smem:$0x3FAE]  }
0x2a: {  	p0 =	seq.s32 s5, $0x0;
	s5 =	sld [smem:$0x3FAF]  }
0x2b: {  	s6 =	sld [smem:$0x3FB0]  }
0x2c: {  	s7 =	sld [smem:$0x3FB1]  }
0x2d: {  	s3 =	simm.s32 $0x108;
	s8 =	sld [smem:$0x3FB2]  }
0x2e: {  	s3 =	simm.s32 @!p0 $0x1082;
	s9 =	sld [smem:$0x3FB3]  }
0x2f: {  	lr =	sadd.s32 s0, s3;
	s0 =	sld [smem:$0x3FAA]  }
0x30: {  	s3 =	sld [smem:$0x3FAD]  }
0x31: {  	[smem:$0x3FB6] =	sst s10  }
0x32: {  	s10 =	sld [smem:$0x3FB4];
	_ =	sdelay $0x3  }
0x33: {  	p0 =	seq.s32 s10, $0x1;
	s10 =	sld [smem:$0x3FB6];
	_ =	sdelay $0x3  }
0x34: {  	[smem:$0x3FB6] =	sst s10  }
0x35: {  	s10 =	sld [smem:$0x3FB5];
	_ =	sdelay $0x3  }
0x36: {  	p1 =	seq.s32 s10, $0x1;
	s10 =	sld [smem:$0x3FB6];
	_ =	sdelay $0x3  }
0x37: {  	[smem:$0x3FB6] =	sst s10  }
0x38: {  	s10 =	sld [smem:$0x3FB7]  }
0x39: {  	_ = 	snop;
	(pc) =	sbr.ind lr, $3  }
0x3a: {  	_ = 	snop  }
0x3b: {  	_ = 	snop  }
0x3c: {  	p2 =	seq.s32 s10, $0x1;
	s10 =	sld [smem:$0x3FB6]  }
0x3d: {  	_ =	shalt  }
0x3e: {  	_ =	shalt  }
0x3f: {  	_ =	shalt  }
0x40: {  	_ =	shalt  }
0x41: {  	_ =	shalt  }
0x42: {  	_ =	shalt  }
0x43: {  	_ =	shalt  }
0x44: {  	_ =	shalt  }
0x45: {  	_ =	shalt  }
0x46: {  	_ =	shalt  }
0x47: {  	_ =	shalt  }
0x48: {  	_ =	shalt  }
0x49: {  	_ =	shalt  }
0x4a: {  	_ =	shalt  }
0x4b: {  	_ =	shalt  }
0x4c: {  	_ =	shalt  }
0x4d: {  	_ =	shalt  }
0x4e: {  	_ =	shalt  }
0x4f: {  	_ =	shalt  }
0x50: {  	_ =	shalt  }
0x51: {  	_ =	shalt  }
0x52: {  	_ =	shalt  }
0x53: {  	_ =	shalt  }
0x54: {  	_ =	shalt  }
0x55: {  	_ =	shalt  }
0x56: {  	_ =	shalt  }
0x57: {  	_ =	shalt  }
0x58: {  	_ =	shalt  }
0x59: {  	_ =	shalt  }
0x5a: {  	_ =	shalt  }
0x5b: {  	_ =	shalt  }
0x5c: {  	_ =	shalt  }
0x5d: {  	_ =	shalt  }
0x5e: {  	_ =	shalt  }
0x5f: {  	_ =	shalt  }
0x60: {  	_ =	shalt  }
0x61: {  	_ =	shalt  }
0x62: {  	_ =	shalt  }
0x63: {  	_ =	shalt  }
0x64: {  	_ =	shalt  }
0x65: {  	_ =	shalt  }
0x66: {  	_ =	shalt  }
0x67: {  	_ =	shalt  }
0x68: {  	_ =	shalt  }
0x69: {  	_ =	shalt  }
0x6a: {  	_ =	shalt  }
0x6b: {  	_ =	shalt  }
0x6c: {  	_ =	shalt  }
0x6d: {  	_ =	shalt  }
0x6e: {  	_ =	shalt  }
0x6f: {  	_ =	shalt  }
0x70: {  	_ =	shalt  }
0x71: {  	_ =	shalt  }
0x72: {  	_ =	shalt  }
0x73: {  	_ =	shalt  }
0x74: {  	_ =	shalt  }
0x75: {  	_ =	shalt  }
0x76: {  	_ =	shalt  }
0x77: {  	_ =	shalt  }
0x78: {  	_ =	shalt  }
0x79: {  	_ =	shalt  }
0x7a: {  	_ =	shalt  }
0x7b: {  	_ =	shalt  }
0x7c: {  	_ =	shalt  }
0x7d: {  	_ =	shalt  }
0x7e: {  	_ =	shalt  }
0x7f: {  	_ =	shalt  }
0x80: {  	_ =	shalt  }
0x81: {  	_ =	shalt  }
0x82: {  	_ =	shalt  }
0x83: {  	_ =	shalt  }
0x84: {  	_ =	shalt  }
0x85: {  	_ =	shalt  }
0x86: {  	_ =	shalt  }
0x87: {  	_ =	shalt  }
.Lfunc_end0:
.L_simem_size_0:
called_computation.2_lowered:
.L_overlay_start_0:
0x88: {  	s2 =	sld [smem:$0x3FD9]  }
0x89: {  	s3 =	sld [smem:$0x3FFE];
	_ =	sdelay $0x1  }
0x8a: {  	s1 =	srdreg.scid  }
0x8b: {  	s0 =	sand.u32 $0x1, s1  }
0x8c: {  	s16 =	sshll.u32 s0, $0xA;
	s2 =	sadd.s32 s3, s2  }
0x8d: {  	s2 =	sadd.s32 s2, s16  }
0x8e: {  	[smem:$0x3FC2] =	sst s2  }
0x8f: {  	_ = 	snop  }
0x90: {  	(tm) =	ssettm $0x1  }
0x91: {  	s17 =	sld [smem:$0x3FFB];
	_ =	sdelay $0x3  }
0x92: {  	_ =	strace s17  }
0x93: {  	s2 =	sld [smem:$0x3FFC];
	_ =	sdelay $0x3  }
0x94: {  	_ =	strace s2  }
0x95: {  	s2 =	sld [smem:$0x3FFD];
	_ =	sdelay $0x3  }
0x96: {  	_ =	strace s2  }
0x97: {  	_ =	strace $0x8FFFFFFF  }
0x98: {  	s18 =	sld [smem:$0x3FDB];
	_ =	sdelay $0x1  }
0x99: {  	s19 =	simm.s32 $_scs_section_size  }
0x9a: {  	s4 =	simm.s32 $_size__tile_overlayer_lowered;
	s5 =	simm.s32 $_tile_overlayer_lowered  }
0x9b: {  	s22 =	simm.s32 $0x1BFF;
	s21 =	sshll.u32 s5, $0x1;
	s2 =	sadd.s32 s19, s18  }
0x9c: {  	s6 =	simm.s32 $0x0;
	s20 =	sshll.u32 s4, $0x1;
	s4 =	sadd.s32 s21, s2  }
0x9d: {  	[timem:s6], [sflag:s22] =	dma.local [hbm:s4], s20  }
0x9e: {  	_ =	swait.ge [sflag:s22], s20  }
0x9f: {  	s3 =	ssub.s32 $0x0, s20;
	[sflag:s22] =	ssyncset.done $0x0  }
0xa0: {  	[sflag:s22] =	ssyncadd.s32 s3;
	_ =	sdelay $0x1  }
0xa1: {  	s23 =	simm.s32 $0x1B8B  }
0xa2: {  	_ =	swait.ge [sflag:s23], $0x1  }
0xa3: {  	[sflag:s23] =	ssyncset.done $0x0  }
0xa4: {  	s25 =	simm.s32 $0x1B8E;
	s24 =	sld [smem:$0x3FFE];
	[sflag:s23] =	ssyncadd.s32 $0xFFFFFFFF  }
0xa5: {  	s26 =	simm.s32 $execute0_lowered;
	[smem:$0x3FD2] =	sst s25  }
0xa6: {  	s4 =	sshll.u32 s26, $0x1;
	_ =	strace $0x8000004C;
	[dreg:$0x1] =	wrdreg $0xFFFFFFFF  }
0xa7: {  	s28 =	simm.s32 $_size_execute0_lowered;
	s2 =	sadd.s32 s2, s4;
	[dreg:$0x0] =	wrdreg $0x0  }
0xa8: {  	s4 =	sshll.u32 s28, $0x1;
	[dreg:$0x2] =	wrdreg s2  }
0xa9: {  	[dreg:$0x3] =	wrdreg s4  }
0xaa: {  	[dreg:$0x4] =	wrdreg $0xC0  }
0xab: {  	_ =	task [dreg:s6], $0x5FFFF  }
0xac: {  	[dreg:$0x1] =	wrdreg $0xFFFFFFFF  }
0xad: {  	[dreg:$0x0] =	wrdreg $0x60  }
0xae: {  	[dreg:$0x2] =	wrdreg s24  }
0xaf: {  	[dreg:$0x3] =	wrdreg $0x54000  }
0xb0: {  	[dreg:$0x4] =	wrdreg $0x9  }
0xb1: {  	_ =	task.clear_ibuf [dreg:s6], $0x5FFFF;
	_ =	strace $0x9000004C  }
0xb2: {  	s29 =	simm.s32 $0x9;
	_ =	strace $0x8000004E  }
0xb3: {  	_ =	swait.ge [sflag:s29], $0x1  }
0xb4: {  	[sflag:s29] =	ssyncadd.s32 $0xFFFFFFFF  }
0xb5: {  	_ =	strace $0x9000004E  }
0xb6: {  	_ =	sfence  }
0xb7: {  	s30 =	sld [smem:$0x0];
	_ =	sdelay $0x2  }
0xb8: {  	s31 =	sshll.u32 s1, $0xD;
	s1 =	sshrl.u32 s1, $0x2  }
0xb9: {  	s3 =	sand.u32 $0x4000, s31;
	s1 =	sadd.s32 s1, s30  }
0xba: {  	s0 =	sor.u32 s3, s0;
	s1 =	sshll.u32 s1, $0x11  }
0xbb: {  	s0 =	sor.u32 s1, s0  }
0xbc: {  	s0 =	sadd.s32 $0x8F2B, s0  }
0xbd: {  	[sflag:s0] =	ssyncadd.remote.s32 $0x1  }
0xbe: {  	_ =	sfence.sel $0xFFFF  }
0xbf: {  	[dreg:$0x0] =	wrdreg $0xFFFFFFFF;
	(pc) =	sbr.abs _section_cstart, $3  }
0xc0: {  	[dreg:$0x1] =	wrdreg $0xFFFFFFFF  }
0xc1: {  	_ =	task.clear_ibuf [dreg:s6], $0x2FFFF;
	_ =	strace $0x9FFFFFFF  }
0xc2: {  	(tm) =	ssettm $0x7FFFFFFF  }
0xc3: {  	_ =	shalt  }
tec
execute0_lowered:
.L_overlay_start_1:
0x0: {  	(tag) =	ssettag $0x1  }
0x1: {  	s5 =	rddreg [dreg:$0x0]  }
0x2: {  	s1 =	rddreg [dreg:$0x1];
	s2 =	srdreg.scid  }
0x3: {  	s0 =	rddreg [dreg:$0x2];
	s15 =	stileid.u32;
	s10 =	simm.s32 $0x2800  }
0x4: {  	s11 =	simm.s32 $0x80;
	s12 =	simm.s32 $0x5000;
	s13 =	simm.s32 $0x1  }
0x5: {  	s4 =	sand.u32 $0x1, s2;
	s2 =	simm.s32 $0x0;
	s31 =	smul.u32 $0x1400, s15  }
0x6: {  	p0 =	sne.s32 s15, $0x0;
	s3 =	sshll.u32 s4, $0x4;
	[smem:$0x7FF] =	sst s2  }
0x7: {  	s7 =	smul.u32 $0x2800, s4;
	s8 =	ssub.s32 $0x2, s4;
	s4 =	sadd.s32 $0x15400, s5  }
0x8: {  	s3 =	sor.u32 s15, s3;
	_ =	strace $0x8000004D;
	s9 =	sshrl.u32 s8, $0x1  }
0x9: {  	s16 =	sshrl.u32 s31, $0x3;
	s17 =	sadd.s32 s31, s1;
	s15 =	sshll.u32 s15, $0x6  }
0xa: {  	s6 =	smul.u32 $0x500, s3;
	s3 =	sadd.s32 $0x17C00, s5;
	s7 =	sadd.s32 s7, s5  }
0xb: {  	s8 =	ssub.s32 s8, s9;
	s9 =	simm.s32 $0x2;
	s15 =	sor.u32 $0x1C02, s15  }
0xc: {  	s14 =	sadd.s32 $0x1A400, s7;
	s7 =	smax.u32 s8, $0x1;
	s8 =	sshrl.u32 @!p0 s1, $0x3  }
0xd: {  	s6 =	sadd.s32 s6, s5;
	s14 =	sadd.s32 s16, s14;
	s16 =	sshrl.u32 s17, $0x3  }
0xe: {  	s17 =	simm.s32 $0x0;
	s5 =	sadd.s32 $0xB400, s6;
	s6 =	sadd.s32 $0x1400, s6  }
.LBB2_1:
0xf: {  	s18 =	simm.s32 @!p0 $0x1C02  }
0x10: {  	[spmem:s8], [sflag:s18] =	dma.local @!p0 [hbm:s4], $0x2800  }
0x11: {  	s18 =	simm.s32 @!p0 $0x2  }
0x12: {  	_ =	swait.ge @!p0 [sflag:s18], $0x2800  }
0x13: {  	[sflag:s18] =	ssyncset.done @!p0 $0x0  }
0x14: {  	[sflag:s18] =	ssyncadd.s32 @!p0 $0xFFFFD800  }
0x15: {  	[tilespmem:s2], [sflag:$0x2] =	stream.linear.gather [hbm4b:s5+s2], $0x2800, $0x38;
	[tilespmem:$0x5680] =	vst v63  }
0x16: {  	_ =	swait.ge [sflag:s9], $0x2800  }
0x17: {  	[sflag:s9] =	ssyncset.done $0x0  }
0x18: {  	[sflag:s9] =	ssyncadd.s32 $0xFFFFD800  }
0x19: {  	[tilespmem:s10], [sflag:$0x2] =	stream.linear.gather [hbm4b:s6+s2], $0x2800, $0x38;
	[tilespmem:$0x5680] =	vst v63  }
0x1a: {  	_ =	swait.ge [sflag:s9], $0x2800  }
0x1b: {  	[sflag:s9] =	ssyncset.done $0x0  }
0x1c: {  	[sflag:s9] =	ssyncadd.s32 $0xFFFFD800  }
0x1d: {  	s30 =	simm.s32 $0x0;
	[bflag:$0x0] =	sbarrier.arrive $0xFFFF  }
0x1e: {  	[tilespmem:s12], [sflag:$0x1] =	stream.indirect.gather [hbm4b:s3+s11], $0x1, s30, s11, $0xb8;
	[tilespmem:$0x5680] =	vst v63  }
0x1f: {  	_ =	swait.ge [sflag:s13], $0x80  }
0x20: {  	[sflag:s13] =	ssyncset.done $0x0  }
0x21: {  	s31 =	simm.s32 $0x2800;
	[sflag:s13] =	ssyncadd.s32 $0xFFFFFF80  }
0x22: {  	[spmem:s1] =	stream.indirect.scatter.add.f32 [tilespmem:s12], [sflag:$0x2], $0x1, s31, s11, $0xb8;
	[tilespmem:$0x5680] =	vst v63  }
0x23: {  	_ =	swait.ge [sflag:s9], $0x80  }
0x24: {  	s19 =	simm.s32 $0x400;
	s18 =	simm.s32 $0x200;
	[sflag:s9] =	ssyncset.done $0x0  }
.LBB2_2:
0x25: {  	s20 =	sshra.s32 s18, $0x2  }
0x26: {  	[sflag:s9] =	ssyncadd.s32 $0xFFFFFF80;
	s18 =	smov.u32 s19;
	s21 =	sadd.s32 $0x200, s19  }
0x27: {  	[tilespmem:s12], [sflag:$0x1] =	stream.indirect.gather [hbm4b:s3+s11], $0x1, s20, s11, $0xb8;
	[tilespmem:$0x5680] =	vst v63  }
0x28: {  	p1 =	sne.s32 s19, $0x9E00;
	_ =	swait.ge [sflag:s13], $0x80  }
.Ltmp0:
0x29: {  	[sflag:s13] =	ssyncset.done $0x0;
	(pc) =	sbr.rel @p1 .LBB2_2-.Ltmp0, $4  }
0x2a: {  	s19 =	sadd.s32 $0x2800, s20;
	[sflag:s13] =	ssyncadd.s32 $0xFFFFFF80  }
0x2b: {  	[spmem:s1] =	stream.indirect.scatter.add.f32 [tilespmem:s12], [sflag:$0x2], $0x1, s19, s11, $0xb8;
	[tilespmem:$0x5680] =	vst v63  }
0x2c: {  	_ =	swait.ge [sflag:s9], $0x80  }
0x2d: {  	s19 =	smov.u32 s21;
	[sflag:s9] =	ssyncset.done $0x0  }
0x2e: {  	s18 =	sshra.s32 s18, $0x2;
	[sflag:s9] =	ssyncadd.s32 $0xFFFFFF80  }
0x2f: {  	[tilespmem:s12], [sflag:$0x1] =	stream.indirect.gather [hbm4b:s3+s11], $0x1, s18, s11, $0xb8;
	[tilespmem:$0x5680] =	vst v63  }
0x30: {  	_ =	swait.ge [sflag:s13], $0x80  }
0x31: {  	[sflag:s13] =	ssyncset.done $0x0  }
0x32: {  	s18 =	sadd.s32 $0x2800, s18;
	[sflag:s13] =	ssyncadd.s32 $0xFFFFFF80  }
0x33: {  	[spmem:s1] =	stream.indirect.scatter.add.f32 [tilespmem:s12], [sflag:$0x2], $0x1, s18, s11, $0xb8;
	[tilespmem:$0x5680] =	vst v63  }
0x34: {  	_ =	swait.ge [sflag:s9], $0x80  }
0x35: {  	s17 =	sadd.s32 $0x1, s17;
	[sflag:s9] =	ssyncset.done $0x0  }
0x36: {  	p1 =	sne.s32 s17, s7;
	[sflag:s9] =	ssyncadd.s32 $0xFFFFFF80  }
.Ltmp1:
0x37: {  	[bflag:$0x0] =	sbarrier.arrive $0xFFFF;
	(pc) =	sbr.rel @p1 .LBB2_1-.Ltmp1, $4  }
0x38: {  	[hbm:s14], [sflag:s15] =	dma.local [spmem:s16], $0x280  }
0x39: {  	_ =	swait.ge [sflag:s9], $0x280  }
0x3a: {  	[sflag:s9] =	ssyncset.done $0x0  }
0x3b: {  	[sflag:s9] =	ssyncadd.s32 $0xFFFFFD80  }
0x3c: {  	_ =	sfence.sel $0x180000  }
0x3d: {  	[bflag:$0x0] =	sbarrier.arrive $0xFFFF  }
0x3e: {  	_ =	strace $0x9000004D  }
0x3f: {  	s0 =	sadd.s32 @!p0 $0x100000, s0;
	[bflag:$0x2] =	sbarrier.arrive $0xFFFF  }
0x40: {  	[sflag:s0] =	ssyncadd.tile.s32 @!p0 $0x1;
	_ =	shalt  }
.Lfunc_end2:
_tile_overlayer_lowered:
.L_overlay_start_2:
0x41: {  	(tag) =	ssettag $0x2  }
0x42: {  	s0 =	rddreg [dreg:$0x0];
	s2 =	stileid.u32  }
0x43: {  	s1 =	rddreg [dreg:$0x1];
	p0 =	sne.s32 s2, $0x0  }
0x44: {  	s3 =	rddreg [dreg:$0x2];
	[bflag:$0x3] =	sbarrier.arrive $0xFFFF;
	s2 =	simm.s32 @!p0 $0x1C02  }
0x45: {  	[timem:s3], [sflag:s2] =	dma.local @!p0 [hbm:s0], s1  }
0x46: {  	s0 =	simm.s32 @!p0 $0x2  }
0x47: {  	_ =	swait.ge @!p0 [sflag:s0], s1  }
0x48: {  	s1 =	ssub.s32 @!p0 $0x0, s1;
	[sflag:s0] =	ssyncset.done @!p0 $0x0  }
0x49: {  	[sflag:s0] =	ssyncadd.s32 @!p0 s1  }
0x4a: {  	[bflag:$0x3] =	sbarrier.arrive $0xFFFF  }
0x4b: {  	_ =	shalt  }

// kernel: kernel.8.cloned.1.call-start
scs
__scs_entry_jumppad:
0x0: {  	(pc) =	sbr.rel $0x88, $3  }
0x1: {  	(tag) =	ssettag $0x0;
	lr =	simm.s32 $0x1  }
0x2: {  	[smem:$0x3F9B] =	sst lr;
	_ =	strace $0xD0000000  }
0x3: {  	_ = 	snop  }
0x4: {  	_ = 	snop  }
0x5: {  	_ = 	snop  }
0x6: {  	_ = 	snop  }
0x7: {  	_ = 	snop  }
__scs_overlays_trampoline_lowered:
0x8: {  	[smem:$0x3FAA] =	sst s0  }
0x9: {  	[smem:$0x3FAB] =	sst s1  }
0xa: {  	[smem:$0x3FAC] =	sst s2  }
0xb: {  	[smem:$0x3FAD] =	sst s3  }
0xc: {  	[smem:$0x3FAE] =	sst s4  }
0xd: {  	[smem:$0x3FAF] =	sst s5  }
0xe: {  	[smem:$0x3FB0] =	sst s6  }
0xf: {  	[smem:$0x3FB1] =	sst s7  }
0x10: {  	[smem:$0x3FB2] =	sst s8  }
0x11: {  	[smem:$0x3FB3] =	sst s9;
	s0 =	simm.s32 @!p0 $0x0  }
0x12: {  	s1 =	sld [smem:$0x3F99];
	s0 =	simm.s32 @p0 $0x1  }
0x13: {  	[smem:$0x3FB4] =	sst s0;
	s0 =	simm.s32 @!p1 $0x0  }
0x14: {  	s2 =	sld [smem:$0x3F98];
	s0 =	simm.s32 @p1 $0x1  }
0x15: {  	[smem:$0x3FB5] =	sst s0;
	s0 =	simm.s32 @!p2 $0x0  }
0x16: {  	s3 =	sld [smem:$0x3FDB];
	s0 =	simm.s32 @p2 $0x1  }
0x17: {  	s4 =	simm.s32 $0x1BF5;
	[smem:$0x3FB7] =	sst s0  }
0x18: {  	s0 =	sld [smem:$0x3F9A];
	_ =	swait.ge [sflag:s4], $0x0  }
0x19: {  	s7 =	sld [smem:$0x3F9B]  }
0x1a: {  	s8 =	sadd.s32 $0xFFFFE003, lr  }
0x1b: {  	s9 =	sadd.s32 $0xFFFFFEF7, lr;
	s5 =	simm.s32 $0xFFFFFFFF;
	p2 =	slt.u32 s8, $0xFFFFF086  }
0x1c: {  	p1 =	slt.u32 s9, $0xF7A;
	s5 =	simm.s32 @!p2 $0x0  }
0x1d: {  	s5 =	simm.s32 @p1 $0x1;
	p0 =	seq.s32 s7, s2  }
0x1e: {  	s7 =	smul.u32 @!p0 $0xF7A, s2;
	p2 =	seq.s32 @!p0 s5, $0x0  }
0x1f: {  	s9 =	smul.u32 $0xF7A, s1;
	s8 =	simm.s32 @!p0 $0x1BF5;
	p2 =	por !p2, p0  }
0x20: {  	[sflag:s8] =	ssyncset.s32 @!p0 $0xFFFFF086;
	s6 =	sadd.s32 @!p0 s3, s7;
	s7 =	simm.s32 @!p0 $0x108  }
0x21: {  	s3 =	sadd.s32 s3, s9;
	s6 =	sadd.s32 @!p0 $0x88, s6;
	s7 =	simm.s32 @p2 $0x1082  }
0x22: {  	[simem:s7], [sflag:s8] =	dma.local @!p0 [hbm:s6], $0xF7A  }
0x23: {  	s9 =	sor.u32 $0xD0000000, s2;
	s6 =	simm.s32 $0x108;
	_ =	swait.ge @!p0 [sflag:s8], $0x0  }
0x24: {  	s3 =	sadd.s32 $0x88, s3;
	s6 =	simm.s32 @!p1 $0x1082;
	[sflag:s4] =	ssyncset.s32 $0xFFFFF086  }
0x25: {  	[simem:s6], [sflag:s4] =	dma.local [hbm:s3], $0xF7A  }
0x26: {  	[smem:$0x3F9B] =	sst s1;
	(tag) =	ssettag s2;
	_ =	strace s9  }
0x27: {  	s1 =	sld [smem:$0x3FAB]  }
0x28: {  	s2 =	sld [smem:$0x3FAC]  }
0x29: {  	s4 =	sld [smem:$0x3FAE]  }
0x2a: {  	p0 =	seq.s32 s5, $0x0;
	s5 =	sld [smem:$0x3FAF]  }
0x2b: {  	s6 =	sld [smem:$0x3FB0]  }
0x2c: {  	s7 =	sld [smem:$0x3FB1]  }
0x2d: {  	s3 =	simm.s32 $0x108;
	s8 =	sld [smem:$0x3FB2]  }
0x2e: {  	s3 =	simm.s32 @!p0 $0x1082;
	s9 =	sld [smem:$0x3FB3]  }
0x2f: {  	lr =	sadd.s32 s0, s3;
	s0 =	sld [smem:$0x3FAA]  }
0x30: {  	s3 =	sld [smem:$0x3FAD]  }
0x31: {  	[smem:$0x3FB6] =	sst s10  }
0x32: {  	s10 =	sld [smem:$0x3FB4];
	_ =	sdelay $0x3  }
0x33: {  	p0 =	seq.s32 s10, $0x1;
	s10 =	sld [smem:$0x3FB6];
	_ =	sdelay $0x3  }
0x34: {  	[smem:$0x3FB6] =	sst s10  }
0x35: {  	s10 =	sld [smem:$0x3FB5];
	_ =	sdelay $0x3  }
0x36: {  	p1 =	seq.s32 s10, $0x1;
	s10 =	sld [smem:$0x3FB6];
	_ =	sdelay $0x3  }
0x37: {  	[smem:$0x3FB6] =	sst s10  }
0x38: {  	s10 =	sld [smem:$0x3FB7]  }
0x39: {  	_ = 	snop;
	(pc) =	sbr.ind lr, $3  }
0x3a: {  	_ = 	snop  }
0x3b: {  	_ = 	snop  }
0x3c: {  	p2 =	seq.s32 s10, $0x1;
	s10 =	sld [smem:$0x3FB6]  }
0x3d: {  	_ =	shalt  }
0x3e: {  	_ =	shalt  }
0x3f: {  	_ =	shalt  }
0x40: {  	_ =	shalt  }
0x41: {  	_ =	shalt  }
0x42: {  	_ =	shalt  }
0x43: {  	_ =	shalt  }
0x44: {  	_ =	shalt  }
0x45: {  	_ =	shalt  }
0x46: {  	_ =	shalt  }
0x47: {  	_ =	shalt  }
0x48: {  	_ =	shalt  }
0x49: {  	_ =	shalt  }
0x4a: {  	_ =	shalt  }
0x4b: {  	_ =	shalt  }
0x4c: {  	_ =	shalt  }
0x4d: {  	_ =	shalt  }
0x4e: {  	_ =	shalt  }
0x4f: {  	_ =	shalt  }
0x50: {  	_ =	shalt  }
0x51: {  	_ =	shalt  }
0x52: {  	_ =	shalt  }
0x53: {  	_ =	shalt  }
0x54: {  	_ =	shalt  }
0x55: {  	_ =	shalt  }
0x56: {  	_ =	shalt  }
0x57: {  	_ =	shalt  }
0x58: {  	_ =	shalt  }
0x59: {  	_ =	shalt  }
0x5a: {  	_ =	shalt  }
0x5b: {  	_ =	shalt  }
0x5c: {  	_ =	shalt  }
0x5d: {  	_ =	shalt  }
0x5e: {  	_ =	shalt  }
0x5f: {  	_ =	shalt  }
0x60: {  	_ =	shalt  }
0x61: {  	_ =	shalt  }
0x62: {  	_ =	shalt  }
0x63: {  	_ =	shalt  }
0x64: {  	_ =	shalt  }
0x65: {  	_ =	shalt  }
0x66: {  	_ =	shalt  }
0x67: {  	_ =	shalt  }
0x68: {  	_ =	shalt  }
0x69: {  	_ =	shalt  }
0x6a: {  	_ =	shalt  }
0x6b: {  	_ =	shalt  }
0x6c: {  	_ =	shalt  }
0x6d: {  	_ =	shalt  }
0x6e: {  	_ =	shalt  }
0x6f: {  	_ =	shalt  }
0x70: {  	_ =	shalt  }
0x71: {  	_ =	shalt  }
0x72: {  	_ =	shalt  }
0x73: {  	_ =	shalt  }
0x74: {  	_ =	shalt  }
0x75: {  	_ =	shalt  }
0x76: {  	_ =	shalt  }
0x77: {  	_ =	shalt  }
0x78: {  	_ =	shalt  }
0x79: {  	_ =	shalt  }
0x7a: {  	_ =	shalt  }
0x7b: {  	_ =	shalt  }
0x7c: {  	_ =	shalt  }
0x7d: {  	_ =	shalt  }
0x7e: {  	_ =	shalt  }
0x7f: {  	_ =	shalt  }
0x80: {  	_ =	shalt  }
0x81: {  	_ =	shalt  }
0x82: {  	_ =	shalt  }
0x83: {  	_ =	shalt  }
0x84: {  	_ =	shalt  }
0x85: {  	_ =	shalt  }
0x86: {  	_ =	shalt  }
0x87: {  	_ =	shalt  }
.Lfunc_end0:
.L_simem_size_0:
called_computation_lowered:
.L_overlay_start_0:
0x88: {  	s2 =	sld [smem:$0x3FD9]  }
0x89: {  	s3 =	sld [smem:$0x3FFE];
	_ =	sdelay $0x1  }
0x8a: {  	s1 =	srdreg.scid  }
0x8b: {  	s0 =	sand.u32 $0x1, s1  }
0x8c: {  	s17 =	sshll.u32 s0, $0xA;
	s2 =	sadd.s32 s3, s2  }
0x8d: {  	s2 =	sadd.s32 s2, s17  }
0x8e: {  	[smem:$0x3FC2] =	sst s2  }
0x8f: {  	_ = 	snop  }
0x90: {  	s2 =	sld [smem:$0x3FD0];
	(tm) =	ssettm $0x1  }
0x91: {  	s18 =	sld [smem:$0x3FFB];
	_ =	sdelay $0x3  }
0x92: {  	_ =	strace s18  }
0x93: {  	s3 =	sld [smem:$0x3FFC];
	_ =	sdelay $0x3  }
0x94: {  	_ =	strace s3  }
0x95: {  	s3 =	sld [smem:$0x3FFD];
	_ =	sdelay $0x3  }
0x96: {  	_ =	strace s3  }
0x97: {  	_ =	strace $0x8FFFFFFF  }
0x98: {  	s19 =	sld [smem:$0x3FDB];
	_ =	sdelay $0x1  }
0x99: {  	s4 =	simm.s32 $_scs_section_size  }
0x9a: {  	s5 =	simm.s32 $_size__tile_overlayer_lowered;
	s6 =	simm.s32 $_tile_overlayer_lowered  }
0x9b: {  	s22 =	simm.s32 $0x1BFF;
	s21 =	sshll.u32 s6, $0x1;
	s3 =	sadd.s32 s4, s19  }
0x9c: {  	s7 =	simm.s32 $0x0;
	s20 =	sshll.u32 s5, $0x1;
	s5 =	sadd.s32 s21, s3  }
0x9d: {  	[timem:s7], [sflag:s22] =	dma.local [hbm:s5], s20  }
0x9e: {  	_ =	swait.ge [sflag:s22], s20  }
0x9f: {  	s4 =	ssub.s32 $0x0, s20;
	[sflag:s22] =	ssyncset.done $0x0  }
0xa0: {  	[sflag:s22] =	ssyncadd.s32 s4;
	_ =	sdelay $0x1  }
0xa1: {  	s23 =	simm.s32 $0x1B8B  }
0xa2: {  	_ =	swait.ge [sflag:s23], $0x1  }
0xa3: {  	[sflag:s23] =	ssyncset.done $0x0  }
0xa4: {  	s25 =	simm.s32 $0x1B8E;
	s24 =	sld [smem:$0x3FFE];
	[sflag:s23] =	ssyncadd.s32 $0xFFFFFFFF  }
0xa5: {  	s26 =	simm.s32 $execute0_lowered;
	[smem:$0x3FD2] =	sst s25  }
0xa6: {  	s5 =	sshll.u32 s26, $0x1;
	_ =	strace $0x80000046;
	[dreg:$0x1] =	wrdreg $0xFFFFFFFF  }
0xa7: {  	s28 =	simm.s32 $_size_execute0_lowered;
	s3 =	sadd.s32 s3, s5;
	[dreg:$0x0] =	wrdreg $0x0  }
0xa8: {  	s5 =	sshll.u32 s28, $0x1;
	[dreg:$0x2] =	wrdreg s3  }
0xa9: {  	[dreg:$0x3] =	wrdreg s5  }
0xaa: {  	[dreg:$0x4] =	wrdreg $0xC0  }
0xab: {  	_ =	task [dreg:s7], $0x5FFFF  }
0xac: {  	[dreg:$0x1] =	wrdreg $0xFFFFFFFF  }
0xad: {  	[dreg:$0x0] =	wrdreg $0x60  }
0xae: {  	[dreg:$0x2] =	wrdreg s2  }
0xaf: {  	[dreg:$0x3] =	wrdreg s24  }
0xb0: {  	[dreg:$0x4] =	wrdreg $0x2C000  }
0xb1: {  	[dreg:$0x5] =	wrdreg $0x9  }
0xb2: {  	_ =	task.clear_ibuf [dreg:s7], $0x6FFFF;
	_ =	strace $0x90000046  }
0xb3: {  	s29 =	simm.s32 $0x9;
	_ =	strace $0x80000048  }
0xb4: {  	_ =	swait.ge [sflag:s29], $0x1  }
0xb5: {  	[sflag:s29] =	ssyncadd.s32 $0xFFFFFFFF  }
0xb6: {  	_ =	strace $0x90000048  }
0xb7: {  	_ =	sfence  }
0xb8: {  	s30 =	sld [smem:$0x0];
	_ =	sdelay $0x2  }
0xb9: {  	s31 =	sshll.u32 s1, $0xD;
	s1 =	sshrl.u32 s1, $0x2  }
0xba: {  	s3 =	sand.u32 $0x4000, s31;
	s1 =	sadd.s32 s1, s30  }
0xbb: {  	s0 =	sor.u32 s3, s0;
	s1 =	sshll.u32 s1, $0x11  }
0xbc: {  	s0 =	sor.u32 s1, s0  }
0xbd: {  	s0 =	sadd.s32 $0x8F2B, s0  }
0xbe: {  	[sflag:s0] =	ssyncadd.remote.s32 $0x1  }
0xbf: {  	_ =	sfence.sel $0xFFFF  }
0xc0: {  	[dreg:$0x0] =	wrdreg $0xFFFFFFFF;
	(pc) =	sbr.abs _section_cstart, $3  }
0xc1: {  	[dreg:$0x1] =	wrdreg $0xFFFFFFFF  }
0xc2: {  	_ =	task.clear_ibuf [dreg:s7], $0x2FFFF;
	_ =	strace $0x9FFFFFFF  }
0xc3: {  	(tm) =	ssettm $0x7FFFFFFF  }
tec
execute0_lowered:
.L_overlay_start_1:
0x0: {  	(tag) =	ssettag $0x1  }
0x1: {  	s0 =	rddreg [dreg:$0x0]  }
0x2: {  	s5 =	rddreg [dreg:$0x1]  }
0x3: {  	s1 =	srdreg.scid;
	s2 =	rddreg [dreg:$0x2]  }
0x4: {  	s3 =	simm.s32 $0x0;
	s4 =	sand.u32 $0x1, s1;
	s1 =	rddreg [dreg:$0x3]  }
0x5: {  	s12 =	stileid.u32;
	[smem:$0x7FF] =	sst s3  }
0x6: {  	s10 =	smul.u32 $0x1400, s12;
	p0 =	sne.s32 s12, $0x0;
	s6 =	sshll.u32 s4, $0x4  }
0x7: {  	_ =	strace $0x80000047;
	s7 =	smul.u32 $0x2800, s4;
	s8 =	ssub.s32 $0x2, s4  }
0x8: {  	s4 =	sadd.s32 $0x15400, s5;
	s6 =	sor.u32 s12, s6;
	s9 =	sshrl.u32 s8, $0x1  }
0x9: {  	s13 =	sshrl.u32 s10, $0x3;
	s14 =	sadd.s32 s10, s2;
	s10 =	simm.s32 $0x80  }
0xa: {  	s12 =	sshll.u32 s12, $0x6;
	s6 =	smul.u32 $0x500, s6;
	s7 =	sadd.s32 s7, s5  }
0xb: {  	s8 =	ssub.s32 s8, s9;
	s9 =	simm.s32 $0x1;
	s12 =	sor.u32 $0x1C01, s12  }
0xc: {  	s11 =	sadd.s32 $0x17C00, s7;
	s7 =	sshrl.u32 @!p0 s2, $0x3;
	s6 =	sadd.s32 s6, s5  }
0xd: {  	s11 =	sadd.s32 s13, s11;
	s13 =	sshrl.u32 s14, $0x3;
	s14 =	simm.s32 $0x0  }
0xe: {  	s5 =	sadd.s32 $0x1400, s6;
	s6 =	smax.u32 s8, $0x1;
	s8 =	simm.s32 $0x2800  }
.LBB2_1:
0xf: {  	s15 =	simm.s32 @!p0 $0x1C01  }
0x10: {  	[spmem:s7], [sflag:s15] =	dma.local @!p0 [hbm:s4], $0x2800  }
0x11: {  	s15 =	simm.s32 @!p0 $0x1  }
0x12: {  	_ =	swait.ge @!p0 [sflag:s15], $0x2800  }
0x13: {  	[sflag:s15] =	ssyncset.done @!p0 $0x0  }
0x14: {  	[sflag:s15] =	ssyncadd.s32 @!p0 $0xFFFFD800  }
0x15: {  	[tilespmem:s8], [sflag:$0x1] =	stream.linear.gather [hbm4b:s0+s3], $0x400, $0x38;
	[tilespmem:$0x2E80] =	vst v63  }
0x16: {  	_ =	swait.ge [sflag:s9], $0x400  }
0x17: {  	[sflag:s9] =	ssyncset.done $0x0  }
0x18: {  	[sflag:s9] =	ssyncadd.s32 $0xFFFFFC00  }
0x19: {  	[tilespmem:s3], [sflag:$0x1] =	stream.linear.gather [hbm4b:s5+s3], $0x2800, $0x38;
	[tilespmem:$0x2E80] =	vst v63  }
0x1a: {  	_ =	swait.ge [sflag:s9], $0x2800  }
0x1b: {  	[sflag:s9] =	ssyncset.done $0x0  }
0x1c: {  	[sflag:s9] =	ssyncadd.s32 $0xFFFFD800  }
0x1d: {  	s31 =	simm.s32 $0x0;
	[bflag:$0x0] =	sbarrier.arrive $0xFFFF  }
0x1e: {  	[spmem:s2] =	stream.indirect.scatter.add.f32 [tilespmem:s8], [sflag:$0x1], $0x1, s31, s10, $0xb8;
	[tilespmem:$0x2E80] =	vst v63  }
0x1f: {  	_ =	swait.ge [sflag:s9], $0x80  }
0x20: {  	s15 =	simm.s32 $0x200;
	[sflag:s9] =	ssyncset.done $0x0  }
.LBB2_2:
0x21: {  	s16 =	sshra.s32 s15, $0x2;
	[sflag:s9] =	ssyncadd.s32 $0xFFFFFF80;
	p1 =	sne.s32 s15, $0x9E00  }
0x22: {  	[spmem:s2] =	stream.indirect.scatter.add.f32 [tilespmem:s8], [sflag:$0x1], $0x1, s16, s10, $0xb8;
	[tilespmem:$0x2E80] =	vst v63  }
.Ltmp0:
0x23: {  	_ = 	snop;
	(pc) =	sbr.rel @p1 .LBB2_2-.Ltmp0, $4  }
0x24: {  	_ = 	snop  }
0x25: {  	s15 =	sadd.s32 $0x200, s15  }
0x26: {  	_ =	swait.ge [sflag:s9], $0x80  }
0x27: {  	[sflag:s9] =	ssyncset.done $0x0  }
0x28: {  	s14 =	sadd.s32 $0x1, s14  }
0x29: {  	[sflag:s9] =	ssyncadd.s32 $0xFFFFFF80;
	p1 =	sne.s32 s14, s6  }
.Ltmp1:
0x2a: {  	[bflag:$0x0] =	sbarrier.arrive $0xFFFF;
	(pc) =	sbr.rel @p1 .LBB2_1-.Ltmp1, $4  }
0x2b: {  	[hbm:s11], [sflag:s12] =	dma.local [spmem:s13], $0x280  }
0x2c: {  	_ =	swait.ge [sflag:s9], $0x280  }
0x2d: {  	[sflag:s9] =	ssyncset.done $0x0  }
0x2e: {  	[sflag:s9] =	ssyncadd.s32 $0xFFFFFD80  }
0x2f: {  	_ =	sfence.sel $0x180000  }
0x30: {  	[bflag:$0x0] =	sbarrier.arrive $0xFFFF  }
0x31: {  	_ =	strace $0x90000047  }
0x32: {  	s0 =	sadd.s32 @!p0 $0x100000, s1;
	[bflag:$0x2] =	sbarrier.arrive $0xFFFF  }
0x33: {  	[sflag:s0] =	ssyncadd.tile.s32 @!p0 $0x1;
	_ =	shalt  }
.Lfunc_end2:
_tile_overlayer_lowered:
.L_overlay_start_2:
0x34: {  	(tag) =	ssettag $0x2  }
0x35: {  	s0 =	rddreg [dreg:$0x0];
	s2 =	stileid.u32  }
0x36: {  	s1 =	rddreg [dreg:$0x1];
	p0 =	sne.s32 s2, $0x0  }
0x37: {  	s3 =	rddreg [dreg:$0x2];
	[bflag:$0x3] =	sbarrier.arrive $0xFFFF;
	s2 =	simm.s32 @!p0 $0x1C01  }
0x38: {  	[timem:s3], [sflag:s2] =	dma.local @!p0 [hbm:s0], s1  }
0x39: {  	s0 =	simm.s32 @!p0 $0x1  }
0x3a: {  	_ =	swait.ge @!p0 [sflag:s0], s1  }
0x3b: {  	s1 =	ssub.s32 @!p0 $0x0, s1;
	[sflag:s0] =	ssyncset.done @!p0 $0x0  }
0x3c: {  	[sflag:s0] =	ssyncadd.s32 @!p0 s1  }
0x3d: {  	[bflag:$0x3] =	sbarrier.arrive $0xFFFF  }
0x3e: {  	_ =	shalt  }

</sc_bundles>
